<compile_context>
chip_gen: v7x
topology: tpu7x:2x2x1
jax: 0.10.2.dev20260603
libtpu: 0.0.44.dev20260713+nightly
codegen_flags: <defaults>
</compile_context>

<pallas_src>
import functools

import jax
import jax.numpy as jnp
from jax import lax
from jax.experimental import pallas as pl
from jax.experimental.pallas import tpu as pltpu
from jax.experimental.pallas import tpu_sc as plsc

V = 1000000
D = 32
H = 128
O = 4
B = 1024
T = 20

N_IDX = B * T
_SUB = 16


def _sc_gather(idx3d, table_t):
  info = plsc.get_sparse_core_info()
  nw = info.num_cores * info.num_subcores
  b_per_w = N_IDX // nw
  n_chunk = b_per_w // _SUB
  mesh = plsc.VectorSubcoreMesh(core_axis_name="c", subcore_axis_name="s")

  @functools.partial(
      pl.kernel,
      mesh=mesh,
      out_type=jax.ShapeDtypeStruct((N_IDX, D), jnp.float32),
      scratch_types=[
          pltpu.VMEM((n_chunk, _SUB), jnp.int32),
          pltpu.VMEM((_SUB, D, 128), jnp.float32),
          pltpu.VMEM((2, _SUB, D), jnp.float32),
          pltpu.SemaphoreType.DMA,
          pltpu.SemaphoreType.DMA,
      ],
      compiler_params=pltpu.CompilerParams(needs_layout_passes=False),
  )
  def k(idx_hbm, table_hbm, out_hbm, idx_v, blk_v, rows_v, sem, sem2):
    wid = lax.axis_index("s") * info.num_cores + lax.axis_index("c")
    base = wid * b_per_w
    pltpu.sync_copy(idx_hbm.at[wid], idx_v)
    lanes = lax.iota(jnp.int32, 16)

    def chunk_body(i, _):
      slot = lax.rem(i, 2)
      chunk = idx_v[i, pl.ds(0, _SUB)]
      c16 = lax.rem(chunk, 128)
      a16 = chunk - c16
      copies = []
      for j in range(_SUB):
        a_j = jnp.max(jnp.where(lanes == j, a16, 0))
        copies.append(
            pltpu.async_copy(
                table_hbm.at[:, pl.ds(pl.multiple_of(a_j, 128), 128)],
                blk_v.at[j], sem))
      for cp in copies:
        cp.wait()

      @pl.when(i >= 2)
      def _():
        pltpu.make_async_copy(rows_v.at[slot],
                              out_hbm.at[pl.ds(base, _SUB)], sem2).wait()

      for j in range(_SUB):
        c_j = jnp.max(jnp.where(lanes == j, c16, 0))
        cs = jnp.full((16,), c_j, jnp.int32)
        js = jnp.full((16,), j, jnp.int32)
        for w in range(0, D, 16):
          val = plsc.load_gather(blk_v, [js, lanes + w, cs])
          rows_v[slot, j, pl.ds(w, 16)] = val
      pltpu.async_copy(rows_v.at[slot],
                       out_hbm.at[pl.ds(base + i * _SUB, _SUB)], sem2)
      return 0

    lax.fori_loop(0, n_chunk, chunk_body, 0)
    for _ in range(2):
      pltpu.make_async_copy(rows_v.at[0],
                            out_hbm.at[pl.ds(base, _SUB)], sem2).wait()

  return k(idx3d, table_t)


def _tc_lstm_head(E, Wf, Wr, bf, br, W1a, W1b, b1r, W2t, b2r):

  def body(e_ref, wf_ref, wr_ref, bf_ref, br_ref, w1a_ref, w1b_ref,
           b1_ref, w2_ref, b2_ref, out_ref,
           hf_ref, cf_ref, hb_ref, cb_ref, hf0_ref, hb0_ref):
    zeros = jnp.zeros((B, H), jnp.float32)
    hf_ref[...] = zeros
    cf_ref[...] = zeros
    hb_ref[...] = zeros
    cb_ref[...] = zeros

    def sigmoid(z):
      return 0.5 + 0.5 * jnp.tanh(0.5 * z)

    def cell(x, h_ref, c_ref, w_ref, b_ref):
      xh = jnp.concatenate([x, h_ref[...]], axis=1)
      gates = (jnp.dot(xh, w_ref[...],
                       preferred_element_type=jnp.float32) + b_ref[...])
      i = sigmoid(gates[:, 0 * H:1 * H])
      f = sigmoid(gates[:, 1 * H:2 * H])
      g = jnp.tanh(gates[:, 2 * H:3 * H])
      o = sigmoid(gates[:, 3 * H:4 * H])
      c_new = f * c_ref[...] + i * g
      h_new = o * jnp.tanh(c_new)
      c_ref[...] = c_new
      h_ref[...] = h_new
      return h_new

    def step(t, _):
      h_f = cell(e_ref[t], hf_ref, cf_ref, wf_ref, bf_ref)
      h_b = cell(e_ref[T - 1 - t], hb_ref, cb_ref, wr_ref, br_ref)

      @pl.when(t == 0)
      def _():
        hf0_ref[...] = h_f
        hb0_ref[...] = h_b

      return 0

    lax.fori_loop(0, T, step, 0)

    sf = hf0_ref[...] + hf_ref[...]
    sb = hb0_ref[...] + hb_ref[...]
    tmp = (jnp.dot(sf, w1a_ref[...], preferred_element_type=jnp.float32)
           + jnp.dot(sb, w1b_ref[...], preferred_element_type=jnp.float32)
           + b1_ref[...])
    out_ref[...] = (jnp.dot(tmp, w2_ref[...],
                            preferred_element_type=jnp.float32) + b2_ref[...])

  scratch = [pltpu.VMEM((B, H), jnp.float32)] * 6
  return pl.pallas_call(
      body,
      out_shape=jax.ShapeDtypeStruct((B, O), jnp.float32),
      scratch_shapes=scratch,
  )(E, Wf, Wr, bf, br, W1a, W1b, b1r, W2t, b2r)


def kernel(x, table, W_ih_f, W_hh_f, b_ih_f, b_hh_f,
           W_ih_r, W_hh_r, b_ih_r, b_hh_r, W1, b1, W2, b2):
  idx3d = x.astype(jnp.int32).T.reshape(32, -1, _SUB)
  E = _sc_gather(idx3d, table.T).reshape(T, B, D)

  Wf = jnp.concatenate([W_ih_f.T, W_hh_f.T], axis=0)
  Wr = jnp.concatenate([W_ih_r.T, W_hh_r.T], axis=0)
  bf = (b_ih_f + b_hh_f)[None, :]
  br = (b_ih_r + b_hh_r)[None, :]
  W1a = W1[:, :H].T
  W1b = W1[:, H:].T
  W2t = W2.T
  return _tc_lstm_head(E, Wf, Wr, bf, br, W1a, W1b, b1[None, :], W2t,
                       b2[None, :])

# --- scband reference (transcript-rebuilt; emitter-appended) ---
"""Pipeline reference for scband-lstmtext-classifier-16037407884075 (READ-ONLY COPY).

The authoritative reference and input builder live on the scoring server;
editing this copy changes nothing except your own understanding.
"""

import jax, jax.numpy as jnp
import numpy as np

V = 1000000
D = 32
H = 128
O = 4
B = 1024
T = 20


def _run_lstm(E, W_ih, W_hh, b_ih, b_hh):
    # E: [B, T, D]; torch LSTM gate order: i, f, g, o
    Bn = E.shape[0]
    h0 = jnp.zeros((Bn, H), dtype=E.dtype)
    c0 = jnp.zeros((Bn, H), dtype=E.dtype)

    def step(carry, x_t):
        h, c = carry
        gates = x_t @ W_ih.T + b_ih + h @ W_hh.T + b_hh
        i, f, g, o = jnp.split(gates, 4, axis=-1)
        i = jax.nn.sigmoid(i)
        f = jax.nn.sigmoid(f)
        g = jnp.tanh(g)
        o = jax.nn.sigmoid(o)
        c_new = f * c + i * g
        h_new = o * jnp.tanh(c_new)
        return (h_new, c_new), h_new

    Et = jnp.swapaxes(E, 0, 1)  # [T, B, D]
    _, hs = jax.lax.scan(step, (h0, c0), Et)
    return jnp.swapaxes(hs, 0, 1)  # [B, T, H]


def setup_inputs(seed: int = 0) -> dict:
    key = jax.random.key(seed)
    ks = jax.random.split(key, 16)
    x = jax.random.randint(ks[0], (B, T), 0, V, dtype=jnp.int64)
    s_e = 1.0  # torch nn.Embedding init ~ N(0,1)
    table = jax.random.normal(ks[1], (V, D), dtype=jnp.float32) * s_e
    table = table.at[0].set(0.0)  # padding_idx=0
    s_l = 1.0 / np.sqrt(H)
    W_ih_f = jax.random.uniform(ks[2], (4 * H, D), minval=-s_l, maxval=s_l, dtype=jnp.float32)
    W_hh_f = jax.random.uniform(ks[3], (4 * H, H), minval=-s_l, maxval=s_l, dtype=jnp.float32)
    b_ih_f = jax.random.uniform(ks[4], (4 * H,), minval=-s_l, maxval=s_l, dtype=jnp.float32)
    b_hh_f = jax.random.uniform(ks[5], (4 * H,), minval=-s_l, maxval=s_l, dtype=jnp.float32)
    W_ih_r = jax.random.uniform(ks[6], (4 * H, D), minval=-s_l, maxval=s_l, dtype=jnp.float32)
    W_hh_r = jax.random.uniform(ks[7], (4 * H, H), minval=-s_l, maxval=s_l, dtype=jnp.float32)
    b_ih_r = jax.random.uniform(ks[8], (4 * H,), minval=-s_l, maxval=s_l, dtype=jnp.float32)
    b_hh_r = jax.random.uniform(ks[9], (4 * H,), minval=-s_l, maxval=s_l, dtype=jnp.float32)
    s1 = 1.0 / np.sqrt(2 * H)
    W1 = jax.random.uniform(ks[10], (H, 2 * H), minval=-s1, maxval=s1, dtype=jnp.float32)
    b1 = jax.random.uniform(ks[11], (H,), minval=-s1, maxval=s1, dtype=jnp.float32)
    s2 = 1.0 / np.sqrt(H)
    W2 = jax.random.uniform(ks[12], (O, H), minval=-s2, maxval=s2, dtype=jnp.float32)
    b2 = jax.random.uniform(ks[13], (O,), minval=-s2, maxval=s2, dtype=jnp.float32)
    return {
        "x": x,
        "table": table,
        "W_ih_f": W_ih_f, "W_hh_f": W_hh_f, "b_ih_f": b_ih_f, "b_hh_f": b_hh_f,
        "W_ih_r": W_ih_r, "W_hh_r": W_hh_r, "b_ih_r": b_ih_r, "b_hh_r": b_hh_r,
        "W1": W1, "b1": b1, "W2": W2, "b2": b2,
    }


def reference(x, table, W_ih_f, W_hh_f, b_ih_f, b_hh_f,
              W_ih_r, W_hh_r, b_ih_r, b_hh_r, W1, b1, W2, b2):
    # Embedding lookup (SparseCore gather)
    E = jnp.take(table, x, axis=0)  # [B, T, D]
    # Dropout is identity in eval mode
    h_fwd = _run_lstm(E, W_ih_f, W_hh_f, b_ih_f, b_hh_f)  # [B, T, H]
    E_rev = E[:, ::-1, :]
    h_bwd = _run_lstm(E_rev, W_ih_r, W_hh_r, b_ih_r, b_hh_r)[:, ::-1, :]  # [B, T, H]
    H_out = jnp.concatenate([h_fwd, h_bwd], axis=-1)  # [B, T, 2H]
    tmp = (H_out[:, -1, :] + H_out[:, 0, :]) @ W1.T + b1
    return tmp @ W2.T + b2

if __name__ == "__main__":
    import jax
    _d = setup_inputs()
    print(jax.jit(kernel)(*tuple(_d.values())))

</pallas_src>

<mosaic_0001>
#map = affine_map<(d0, d1) -> (0, 0, 0)>
#map1 = affine_map<(d0, d1) -> (0, 0)>
module attributes {stable_mosaic.version = 14 : i64} {
  func.func @k(%arg0: i32, %arg1: i32, %arg2: memref<32x40x16xi32, #tpu.memory_space<hbm>>, %arg3: memref<32x1000000xf32, #tpu.memory_space<hbm>>, %arg4: memref<20480x32xf32, #tpu.memory_space<hbm>>, %arg5: memref<40x16xi32, #tpu.memory_space<vmem>>, %arg6: memref<16x32x128xf32, #tpu.memory_space<vmem>>, %arg7: memref<2x16x32xf32, #tpu.memory_space<vmem>>, %arg8: memref<!tpu.dma_semaphore, #tpu.memory_space<semaphore_mem>>, %arg9: memref<!tpu.dma_semaphore, #tpu.memory_space<semaphore_mem>>) attributes {dimension_semantics = [#tpu.dimension_semantics<core_parallel>, #tpu.dimension_semantics<subcore_parallel>], iteration_bounds = array<i64: 2, 16>, scalar_prefetch = 0 : i64, scratch_operands = 5 : i64, tpu.core_type = #tpu.core_type<sc_vector_subcore>, window_params = [{transform_indices = #map}, {transform_indices = #map1}, {transform_indices = #map1}]} {
    %mul3A = arith.constant 2 : i32
    %mul3A_0 = arith.muli %arg1, %mul3A : i32
    %add3A = arith.addi %mul3A_0, %arg0 : i32
    %mul3A_1 = arith.constant 640 : i32
    %mul3A_2 = arith.muli %add3A, %mul3A_1 : i32
    "tpu.region"() ({
      %run_scoped3A = tpu.sem_alloc : memref<!tpu.dma_semaphore, #tpu.memory_space<semaphore_mem>>
      %dma_start3A = arith.constant 0 : i32
      %dma_start3A_34 = arith.constant 0 : i32
      %dma_start3A_35 = tpu.memref_slice %arg2[%add3A, %dma_start3A, %dma_start3A_34] : memref<32x40x16xi32, #tpu.memory_space<hbm>> -> memref<1x40x16xi32, #tpu.memory_space<hbm>>
      %dma_start3A_36 = tpu.memref_squeeze %dma_start3A_35 : memref<1x40x16xi32, #tpu.memory_space<hbm>> -> memref<40x16xi32, #tpu.memory_space<hbm>>
      %dma_start3A_37 = arith.constant 0 : i32
      %dma_start3A_38 = arith.constant 0 : i32
      %dma_start3A_39 = tpu.memref_slice %arg2[%add3A, %dma_start3A_37, %dma_start3A_38] : memref<32x40x16xi32, #tpu.memory_space<hbm>> -> memref<1x40x16xi32, #tpu.memory_space<hbm>>
      %dma_start3A_40 = tpu.memref_squeeze %dma_start3A_39 : memref<1x40x16xi32, #tpu.memory_space<hbm>> -> memref<40x16xi32, #tpu.memory_space<hbm>>
      tpu.enqueue_dma source(%dma_start3A_40 : memref<40x16xi32, #tpu.memory_space<hbm>>) target(%arg5 : memref<40x16xi32, #tpu.memory_space<vmem>>) target_semaphore(%run_scoped3A : memref<!tpu.dma_semaphore, #tpu.memory_space<semaphore_mem>>)
      %dma_wait3A_41 = arith.constant 0 : i32
      %dma_wait3A_42 = arith.constant 0 : i32
      %dma_wait3A_43 = tpu.memref_slice %arg2[%add3A, %dma_wait3A_41, %dma_wait3A_42] : memref<32x40x16xi32, #tpu.memory_space<hbm>> -> memref<1x40x16xi32, #tpu.memory_space<hbm>>
      %dma_wait3A_44 = tpu.memref_squeeze %dma_wait3A_43 : memref<1x40x16xi32, #tpu.memory_space<hbm>> -> memref<40x16xi32, #tpu.memory_space<hbm>>
      %dma_wait3A_45 = arith.constant 0 : i32
      %dma_wait3A_46 = arith.constant 0 : i32
      %dma_wait3A_47 = tpu.memref_slice %arg2[%add3A, %dma_wait3A_45, %dma_wait3A_46] : memref<32x40x16xi32, #tpu.memory_space<hbm>> -> memref<1x40x16xi32, #tpu.memory_space<hbm>>
      %dma_wait3A_48 = tpu.memref_squeeze %dma_wait3A_47 : memref<1x40x16xi32, #tpu.memory_space<hbm>> -> memref<40x16xi32, #tpu.memory_space<hbm>>
      tpu.wait_dma2 semaphore(%run_scoped3A : memref<!tpu.dma_semaphore, #tpu.memory_space<semaphore_mem>>) src(%dma_wait3A_48 : memref<40x16xi32, #tpu.memory_space<hbm>>) dst(%arg5 : memref<40x16xi32, #tpu.memory_space<vmem>>)
      tpu.yield
    }) : () -> ()
    %iota3A = tpu.iota {dimensions = array<i32: 0>} : vector<16xi32>
    %scan3A = arith.constant 0 : i32
    %scan3A_3 = arith.constant 0 : i32
    %scan3A_4 = arith.constant 40 : i32
    %scan3A_5 = arith.addi %scan3A_3, %scan3A_4 : i32
    %scan3A_6 = arith.constant 1 : i32
    %scan3A_7 = scf.for %scan3A_34 = %scan3A_3 to %scan3A_5 step %scan3A_6 iter_args(%scan3A_35 = %scan3A) -> (i32)  : i32 {
      %rem3A = arith.constant 2 : i32
      %rem3A_36 = arith.remsi %scan3A_34, %rem3A : i32
      %get3A = arith.index_cast %scan3A_34 : i32 to index
      %get3A_37 = arith.constant 0 : index
      %get3A_38 = tpu.vector_load %arg5[%get3A, %get3A_37] {strides = array<i32>} : memref<40x16xi32, #tpu.memory_space<vmem>>, vector<16xi32>,
      %rem3A_39 = arith.constant 128 : i32
      %rem3A_40 = vector.broadcast %rem3A_39 : i32 to vector<16xi32>
      %rem3A_41 = arith.remsi %get3A_38, %rem3A_40 : vector<16xi32>
      %sub3A = arith.subi %get3A_38, %rem3A_41 : vector<16xi32>
      %eq3A = arith.constant 0 : i32
      %eq3A_42 = vector.broadcast %eq3A : i32 to vector<16xi32>
      %eq3A_43 = arith.cmpi eq, %iota3A, %eq3A_42 : vector<16xi32>
      %jit3A = arith.constant 0 : i32
      %broadcast_in_dim3A = vector.broadcast %jit3A : i32 to vector<16xi32>
      %select_n3A = arith.select %eq3A_43, %sub3A, %broadcast_in_dim3A : vector<16xi1>, vector<16xi32>
      %reduce_max3A = arith.constant true
      %reduce_max3A_44 = vector.broadcast %reduce_max3A : i1 to vector<16xi1>
      %reduce_max3A_45 = arith.constant -2147483648 : i32
      %reduce_max3A_46 = vector.broadcast %reduce_max3A_45 : i32 to vector<16xi32>
      %reduce_max3A_47 = arith.xori %select_n3A, %reduce_max3A_46 : vector<16xi32>
      %reduce_max3A_48 = tpu.scan <max>, %reduce_max3A_47 masked %reduce_max3A_44 : vector<16xi32>, vector<16xi1> -> vector<16xi32>
      %reduce_max3A_49 = arith.xori %reduce_max3A_48, %reduce_max3A_46 : vector<16xi32>
      %reduce_max3A_50 = vector.extract %reduce_max3A_49[15] : i32 from vector<16xi32>
      %multiple_of3A = tpu.assume_multiple %reduce_max3A_50, 128 : i32
      %dma_start3A = arith.constant 0 : i32
      %dma_start3A_51 = arith.constant 0 : i32
      %dma_start3A_52 = arith.constant 0 : i32
      %dma_start3A_53 = tpu.memref_slice %arg6[%dma_start3A, %dma_start3A_51, %dma_start3A_52] : memref<16x32x128xf32, #tpu.memory_space<vmem>> -> memref<1x32x128xf32, #tpu.memory_space<vmem>>
      %dma_start3A_54 = tpu.memref_squeeze %dma_start3A_53 : memref<1x32x128xf32, #tpu.memory_space<vmem>> -> memref<32x128xf32, #tpu.memory_space<vmem>>
      %dma_start3A_55 = arith.constant 0 : i32
      %dma_start3A_56 = tpu.memref_slice %arg3[%dma_start3A_55, %multiple_of3A] : memref<32x1000000xf32, #tpu.memory_space<hbm>> -> memref<32x128xf32, #tpu.memory_space<hbm>>
      %dma_start3A_57 = arith.constant 0 : i32
      %dma_start3A_58 = arith.constant 0 : i32
      %dma_start3A_59 = tpu.memref_slice %arg6[%dma_start3A, %dma_start3A_57, %dma_start3A_58] : memref<16x32x128xf32, #tpu.memory_space<vmem>> -> memref<1x32x128xf32, #tpu.memory_space<vmem>>
      %dma_start3A_60 = tpu.memref_squeeze %dma_start3A_59 : memref<1x32x128xf32, #tpu.memory_space<vmem>> -> memref<32x128xf32, #tpu.memory_space<vmem>>
      %dma_start3A_61 = arith.constant 0 : i32
      %dma_start3A_62 = tpu.memref_slice %arg3[%dma_start3A_61, %multiple_of3A] : memref<32x1000000xf32, #tpu.memory_space<hbm>> -> memref<32x128xf32, #tpu.memory_space<hbm>>
      tpu.enqueue_dma source(%dma_start3A_62 : memref<32x128xf32, #tpu.memory_space<hbm>>) target(%dma_start3A_60 : memref<32x128xf32, #tpu.memory_space<vmem>>) target_semaphore(%arg8 : memref<!tpu.dma_semaphore, #tpu.memory_space<semaphore_mem>>)
      %eq3A_63 = arith.constant 1 : i32
      %eq3A_64 = vector.broadcast %eq3A_63 : i32 to vector<16xi32>
      %eq3A_65 = arith.cmpi eq, %iota3A, %eq3A_64 : vector<16xi32>
      %jit3A_66 = arith.constant 0 : i32
      %broadcast_in_dim3A_67 = vector.broadcast %jit3A_66 : i32 to vector<16xi32>
      %select_n3A_68 = arith.select %eq3A_65, %sub3A, %broadcast_in_dim3A_67 : vector<16xi1>, vector<16xi32>
      %reduce_max3A_69 = arith.constant true
      %reduce_max3A_70 = vector.broadcast %reduce_max3A_69 : i1 to vector<16xi1>
      %reduce_max3A_71 = arith.constant -2147483648 : i32
      %reduce_max3A_72 = vector.broadcast %reduce_max3A_71 : i32 to vector<16xi32>
      %reduce_max3A_73 = arith.xori %select_n3A_68, %reduce_max3A_72 : vector<16xi32>
      %reduce_max3A_74 = tpu.scan <max>, %reduce_max3A_73 masked %reduce_max3A_70 : vector<16xi32>, vector<16xi1> -> vector<16xi32>
      %reduce_max3A_75 = arith.xori %reduce_max3A_74, %reduce_max3A_72 : vector<16xi32>
      %reduce_max3A_76 = vector.extract %reduce_max3A_75[15] : i32 from vector<16xi32>
      %multiple_of3A_77 = tpu.assume_multiple %reduce_max3A_76, 128 : i32
      %dma_start3A_78 = arith.constant 1 : i32
      %dma_start3A_79 = arith.constant 0 : i32
      %dma_start3A_80 = arith.constant 0 : i32
      %dma_start3A_81 = tpu.memref_slice %arg6[%dma_start3A_78, %dma_start3A_79, %dma_start3A_80] : memref<16x32x128xf32, #tpu.memory_space<vmem>> -> memref<1x32x128xf32, #tpu.memory_space<vmem>>
      %dma_start3A_82 = tpu.memref_squeeze %dma_start3A_81 : memref<1x32x128xf32, #tpu.memory_space<vmem>> -> memref<32x128xf32, #tpu.memory_space<vmem>>
      %dma_start3A_83 = arith.constant 0 : i32
      %dma_start3A_84 = tpu.memref_slice %arg3[%dma_start3A_83, %multiple_of3A_77] : memref<32x1000000xf32, #tpu.memory_space<hbm>> -> memref<32x128xf32, #tpu.memory_space<hbm>>
      %dma_start3A_85 = arith.constant 0 : i32
      %dma_start3A_86 = arith.constant 0 : i32
      %dma_start3A_87 = tpu.memref_slice %arg6[%dma_start3A_78, %dma_start3A_85, %dma_start3A_86] : memref<16x32x128xf32, #tpu.memory_space<vmem>> -> memref<1x32x128xf32, #tpu.memory_space<vmem>>
      %dma_start3A_88 = tpu.memref_squeeze %dma_start3A_87 : memref<1x32x128xf32, #tpu.memory_space<vmem>> -> memref<32x128xf32, #tpu.memory_space<vmem>>
      %dma_start3A_89 = arith.constant 0 : i32
      %dma_start3A_90 = tpu.memref_slice %arg3[%dma_start3A_89, %multiple_of3A_77] : memref<32x1000000xf32, #tpu.memory_space<hbm>> -> memref<32x128xf32, #tpu.memory_space<hbm>>
      tpu.enqueue_dma source(%dma_start3A_90 : memref<32x128xf32, #tpu.memory_space<hbm>>) target(%dma_start3A_88 : memref<32x128xf32, #tpu.memory_space<vmem>>) target_semaphore(%arg8 : memref<!tpu.dma_semaphore, #tpu.memory_space<semaphore_mem>>)
      %eq3A_91 = arith.constant 2 : i32
      %eq3A_92 = vector.broadcast %eq3A_91 : i32 to vector<16xi32>
      %eq3A_93 = arith.cmpi eq, %iota3A, %eq3A_92 : vector<16xi32>
      %jit3A_94 = arith.constant 0 : i32
      %broadcast_in_dim3A_95 = vector.broadcast %jit3A_94 : i32 to vector<16xi32>
      %select_n3A_96 = arith.select %eq3A_93, %sub3A, %broadcast_in_dim3A_95 : vector<16xi1>, vector<16xi32>
      %reduce_max3A_97 = arith.constant true
      %reduce_max3A_98 = vector.broadcast %reduce_max3A_97 : i1 to vector<16xi1>
      %reduce_max3A_99 = arith.constant -2147483648 : i32
      %reduce_max3A_100 = vector.broadcast %reduce_max3A_99 : i32 to vector<16xi32>
      %reduce_max3A_101 = arith.xori %select_n3A_96, %reduce_max3A_100 : vector<16xi32>
      %reduce_max3A_102 = tpu.scan <max>, %reduce_max3A_101 masked %reduce_max3A_98 : vector<16xi32>, vector<16xi1> -> vector<16xi32>
      %reduce_max3A_103 = arith.xori %reduce_max3A_102, %reduce_max3A_100 : vector<16xi32>
      %reduce_max3A_104 = vector.extract %reduce_max3A_103[15] : i32 from vector<16xi32>
      %multiple_of3A_105 = tpu.assume_multiple %reduce_max3A_104, 128 : i32
      %dma_start3A_106 = arith.constant 2 : i32
      %dma_start3A_107 = arith.constant 0 : i32
      %dma_start3A_108 = arith.constant 0 : i32
      %dma_start3A_109 = tpu.memref_slice %arg6[%dma_start3A_106, %dma_start3A_107, %dma_start3A_108] : memref<16x32x128xf32, #tpu.memory_space<vmem>> -> memref<1x32x128xf32, #tpu.memory_space<vmem>>
      %dma_start3A_110 = tpu.memref_squeeze %dma_start3A_109 : memref<1x32x128xf32, #tpu.memory_space<vmem>> -> memref<32x128xf32, #tpu.memory_space<vmem>>
      %dma_start3A_111 = arith.constant 0 : i32
      %dma_start3A_112 = tpu.memref_slice %arg3[%dma_start3A_111, %multiple_of3A_105] : memref<32x1000000xf32, #tpu.memory_space<hbm>> -> memref<32x128xf32, #tpu.memory_space<hbm>>
      %dma_start3A_113 = arith.constant 0 : i32
      %dma_start3A_114 = arith.constant 0 : i32
      %dma_start3A_115 = tpu.memref_slice %arg6[%dma_start3A_106, %dma_start3A_113, %dma_start3A_114] : memref<16x32x128xf32, #tpu.memory_space<vmem>> -> memref<1x32x128xf32, #tpu.memory_space<vmem>>
      %dma_start3A_116 = tpu.memref_squeeze %dma_start3A_115 : memref<1x32x128xf32, #tpu.memory_space<vmem>> -> memref<32x128xf32, #tpu.memory_space<vmem>>
      %dma_start3A_117 = arith.constant 0 : i32
      %dma_start3A_118 = tpu.memref_slice %arg3[%dma_start3A_117, %multiple_of3A_105] : memref<32x1000000xf32, #tpu.memory_space<hbm>> -> memref<32x128xf32, #tpu.memory_space<hbm>>
      tpu.enqueue_dma source(%dma_start3A_118 : memref<32x128xf32, #tpu.memory_space<hbm>>) target(%dma_start3A_116 : memref<32x128xf32, #tpu.memory_space<vmem>>) target_semaphore(%arg8 : memref<!tpu.dma_semaphore, #tpu.memory_space<semaphore_mem>>)
      %eq3A_119 = arith.constant 3 : i32
      %eq3A_120 = vector.broadcast %eq3A_119 : i32 to vector<16xi32>
      %eq3A_121 = arith.cmpi eq, %iota3A, %eq3A_120 : vector<16xi32>
      %jit3A_122 = arith.constant 0 : i32
      %broadcast_in_dim3A_123 = vector.broadcast %jit3A_122 : i32 to vector<16xi32>
      %select_n3A_124 = arith.select %eq3A_121, %sub3A, %broadcast_in_dim3A_123 : vector<16xi1>, vector<16xi32>
      %reduce_max3A_125 = arith.constant true
      %reduce_max3A_126 = vector.broadcast %reduce_max3A_125 : i1 to vector<16xi1>
      %reduce_max3A_127 = arith.constant -2147483648 : i32
      %reduce_max3A_128 = vector.broadcast %reduce_max3A_127 : i32 to vector<16xi32>
      %reduce_max3A_129 = arith.xori %select_n3A_124, %reduce_max3A_128 : vector<16xi32>
      %reduce_max3A_130 = tpu.scan <max>, %reduce_max3A_129 masked %reduce_max3A_126 : vector<16xi32>, vector<16xi1> -> vector<16xi32>
      %reduce_max3A_131 = arith.xori %reduce_max3A_130, %reduce_max3A_128 : vector<16xi32>
      %reduce_max3A_132 = vector.extract %reduce_max3A_131[15] : i32 from vector<16xi32>
      %multiple_of3A_133 = tpu.assume_multiple %reduce_max3A_132, 128 : i32
      %dma_start3A_134 = arith.constant 3 : i32
      %dma_start3A_135 = arith.constant 0 : i32
      %dma_start3A_136 = arith.constant 0 : i32
      %dma_start3A_137 = tpu.memref_slice %arg6[%dma_start3A_134, %dma_start3A_135, %dma_start3A_136] : memref<16x32x128xf32, #tpu.memory_space<vmem>> -> memref<1x32x128xf32, #tpu.memory_space<vmem>>
      %dma_start3A_138 = tpu.memref_squeeze %dma_start3A_137 : memref<1x32x128xf32, #tpu.memory_space<vmem>> -> memref<32x128xf32, #tpu.memory_space<vmem>>
      %dma_start3A_139 = arith.constant 0 : i32
      %dma_start3A_140 = tpu.memref_slice %arg3[%dma_start3A_139, %multiple_of3A_133] : memref<32x1000000xf32, #tpu.memory_space<hbm>> -> memref<32x128xf32, #tpu.memory_space<hbm>>
      %dma_start3A_141 = arith.constant 0 : i32
      %dma_start3A_142 = arith.constant 0 : i32
      %dma_start3A_143 = tpu.memref_slice %arg6[%dma_start3A_134, %dma_start3A_141, %dma_start3A_142] : memref<16x32x128xf32, #tpu.memory_space<vmem>> -> memref<1x32x128xf32, #tpu.memory_space<vmem>>
      %dma_start3A_144 = tpu.memref_squeeze %dma_start3A_143 : memref<1x32x128xf32, #tpu.memory_space<vmem>> -> memref<32x128xf32, #tpu.memory_space<vmem>>
      %dma_start3A_145 = arith.constant 0 : i32
      %dma_start3A_146 = tpu.memref_slice %arg3[%dma_start3A_145, %multiple_of3A_133] : memref<32x1000000xf32, #tpu.memory_space<hbm>> -> memref<32x128xf32, #tpu.memory_space<hbm>>
      tpu.enqueue_dma source(%dma_start3A_146 : memref<32x128xf32, #tpu.memory_space<hbm>>) target(%dma_start3A_144 : memref<32x128xf32, #tpu.memory_space<vmem>>) target_semaphore(%arg8 : memref<!tpu.dma_semaphore, #tpu.memory_space<semaphore_mem>>)
      %eq3A_147 = arith.constant 4 : i32
      %eq3A_148 = vector.broadcast %eq3A_147 : i32 to vector<16xi32>
      %eq3A_149 = arith.cmpi eq, %iota3A, %eq3A_148 : vector<16xi32>
      %jit3A_150 = arith.constant 0 : i32
      %broadcast_in_dim3A_151 = vector.broadcast %jit3A_150 : i32 to vector<16xi32>
      %select_n3A_152 = arith.select %eq3A_149, %sub3A, %broadcast_in_dim3A_151 : vector<16xi1>, vector<16xi32>
      %reduce_max3A_153 = arith.constant true
      %reduce_max3A_154 = vector.broadcast %reduce_max3A_153 : i1 to vector<16xi1>
      %reduce_max3A_155 = arith.constant -2147483648 : i32
      %reduce_max3A_156 = vector.broadcast %reduce_max3A_155 : i32 to vector<16xi32>
      %reduce_max3A_157 = arith.xori %select_n3A_152, %reduce_max3A_156 : vector<16xi32>
      %reduce_max3A_158 = tpu.scan <max>, %reduce_max3A_157 masked %reduce_max3A_154 : vector<16xi32>, vector<16xi1> -> vector<16xi32>
      %reduce_max3A_159 = arith.xori %reduce_max3A_158, %reduce_max3A_156 : vector<16xi32>
      %reduce_max3A_160 = vector.extract %reduce_max3A_159[15] : i32 from vector<16xi32>
      %multiple_of3A_161 = tpu.assume_multiple %reduce_max3A_160, 128 : i32
      %dma_start3A_162 = arith.constant 4 : i32
      %dma_start3A_163 = arith.constant 0 : i32
      %dma_start3A_164 = arith.constant 0 : i32
      %dma_start3A_165 = tpu.memref_slice %arg6[%dma_start3A_162, %dma_start3A_163, %dma_start3A_164] : memref<16x32x128xf32, #tpu.memory_space<vmem>> -> memref<1x32x128xf32, #tpu.memory_space<vmem>>
      %dma_start3A_166 = tpu.memref_squeeze %dma_start3A_165 : memref<1x32x128xf32, #tpu.memory_space<vmem>> -> memref<32x128xf32, #tpu.memory_space<vmem>>
      %dma_start3A_167 = arith.constant 0 : i32
      %dma_start3A_168 = tpu.memref_slice %arg3[%dma_start3A_167, %multiple_of3A_161] : memref<32x1000000xf32, #tpu.memory_space<hbm>> -> memref<32x128xf32, #tpu.memory_space<hbm>>
      %dma_start3A_169 = arith.constant 0 : i32
      %dma_start3A_170 = arith.constant 0 : i32
      %dma_start3A_171 = tpu.memref_slice %arg6[%dma_start3A_162, %dma_start3A_169, %dma_start3A_170] : memref<16x32x128xf32, #tpu.memory_space<vmem>> -> memref<1x32x128xf32, #tpu.memory_space<vmem>>
      %dma_start3A_172 = tpu.memref_squeeze %dma_start3A_171 : memref<1x32x128xf32, #tpu.memory_space<vmem>> -> memref<32x128xf32, #tpu.memory_space<vmem>>
      %dma_start3A_173 = arith.constant 0 : i32
      %dma_start3A_174 = tpu.memref_slice %arg3[%dma_start3A_173, %multiple_of3A_161] : memref<32x1000000xf32, #tpu.memory_space<hbm>> -> memref<32x128xf32, #tpu.memory_space<hbm>>
      tpu.enqueue_dma source(%dma_start3A_174 : memref<32x128xf32, #tpu.memory_space<hbm>>) target(%dma_start3A_172 : memref<32x128xf32, #tpu.memory_space<vmem>>) target_semaphore(%arg8 : memref<!tpu.dma_semaphore, #tpu.memory_space<semaphore_mem>>)
      %eq3A_175 = arith.constant 5 : i32
      %eq3A_176 = vector.broadcast %eq3A_175 : i32 to vector<16xi32>
      %eq3A_177 = arith.cmpi eq, %iota3A, %eq3A_176 : vector<16xi32>
      %jit3A_178 = arith.constant 0 : i32
      %broadcast_in_dim3A_179 = vector.broadcast %jit3A_178 : i32 to vector<16xi32>
      %select_n3A_180 = arith.select %eq3A_177, %sub3A, %broadcast_in_dim3A_179 : vector<16xi1>, vector<16xi32>
      %reduce_max3A_181 = arith.constant true
      %reduce_max3A_182 = vector.broadcast %reduce_max3A_181 : i1 to vector<16xi1>
      %reduce_max3A_183 = arith.constant -2147483648 : i32
      %reduce_max3A_184 = vector.broadcast %reduce_max3A_183 : i32 to vector<16xi32>
      %reduce_max3A_185 = arith.xori %select_n3A_180, %reduce_max3A_184 : vector<16xi32>
      %reduce_max3A_186 = tpu.scan <max>, %reduce_max3A_185 masked %reduce_max3A_182 : vector<16xi32>, vector<16xi1> -> vector<16xi32>
      %reduce_max3A_187 = arith.xori %reduce_max3A_186, %reduce_max3A_184 : vector<16xi32>
      %reduce_max3A_188 = vector.extract %reduce_max3A_187[15] : i32 from vector<16xi32>
      %multiple_of3A_189 = tpu.assume_multiple %reduce_max3A_188, 128 : i32
      %dma_start3A_190 = arith.constant 5 : i32
      %dma_start3A_191 = arith.constant 0 : i32
      %dma_start3A_192 = arith.constant 0 : i32
      %dma_start3A_193 = tpu.memref_slice %arg6[%dma_start3A_190, %dma_start3A_191, %dma_start3A_192] : memref<16x32x128xf32, #tpu.memory_space<vmem>> -> memref<1x32x128xf32, #tpu.memory_space<vmem>>
      %dma_start3A_194 = tpu.memref_squeeze %dma_start3A_193 : memref<1x32x128xf32, #tpu.memory_space<vmem>> -> memref<32x128xf32, #tpu.memory_space<vmem>>
      %dma_start3A_195 = arith.constant 0 : i32
      %dma_start3A_196 = tpu.memref_slice %arg3[%dma_start3A_195, %multiple_of3A_189] : memref<32x1000000xf32, #tpu.memory_space<hbm>> -> memref<32x128xf32, #tpu.memory_space<hbm>>
      %dma_start3A_197 = arith.constant 0 : i32
      %dma_start3A_198 = arith.constant 0 : i32
      %dma_start3A_199 = tpu.memref_slice %arg6[%dma_start3A_190, %dma_start3A_197, %dma_start3A_198] : memref<16x32x128xf32, #tpu.memory_space<vmem>> -> memref<1x32x128xf32, #tpu.memory_space<vmem>>
      %dma_start3A_200 = tpu.memref_squeeze %dma_start3A_199 : memref<1x32x128xf32, #tpu.memory_space<vmem>> -> memref<32x128xf32, #tpu.memory_space<vmem>>
      %dma_start3A_201 = arith.constant 0 : i32
      %dma_start3A_202 = tpu.memref_slice %arg3[%dma_start3A_201, %multiple_of3A_189] : memref<32x1000000xf32, #tpu.memory_space<hbm>> -> memref<32x128xf32, #tpu.memory_space<hbm>>
      tpu.enqueue_dma source(%dma_start3A_202 : memref<32x128xf32, #tpu.memory_space<hbm>>) target(%dma_start3A_200 : memref<32x128xf32, #tpu.memory_space<vmem>>) target_semaphore(%arg8 : memref<!tpu.dma_semaphore, #tpu.memory_space<semaphore_mem>>)
      %eq3A_203 = arith.constant 6 : i32
      %eq3A_204 = vector.broadcast %eq3A_203 : i32 to vector<16xi32>
      %eq3A_205 = arith.cmpi eq, %iota3A, %eq3A_204 : vector<16xi32>
      %jit3A_206 = arith.constant 0 : i32
      %broadcast_in_dim3A_207 = vector.broadcast %jit3A_206 : i32 to vector<16xi32>
      %select_n3A_208 = arith.select %eq3A_205, %sub3A, %broadcast_in_dim3A_207 : vector<16xi1>, vector<16xi32>
      %reduce_max3A_209 = arith.constant true
      %reduce_max3A_210 = vector.broadcast %reduce_max3A_209 : i1 to vector<16xi1>
      %reduce_max3A_211 = arith.constant -2147483648 : i32
      %reduce_max3A_212 = vector.broadcast %reduce_max3A_211 : i32 to vector<16xi32>
      %reduce_max3A_213 = arith.xori %select_n3A_208, %reduce_max3A_212 : vector<16xi32>
      %reduce_max3A_214 = tpu.scan <max>, %reduce_max3A_213 masked %reduce_max3A_210 : vector<16xi32>, vector<16xi1> -> vector<16xi32>
      %reduce_max3A_215 = arith.xori %reduce_max3A_214, %reduce_max3A_212 : vector<16xi32>
      %reduce_max3A_216 = vector.extract %reduce_max3A_215[15] : i32 from vector<16xi32>
      %multiple_of3A_217 = tpu.assume_multiple %reduce_max3A_216, 128 : i32
      %dma_start3A_218 = arith.constant 6 : i32
      %dma_start3A_219 = arith.constant 0 : i32
      %dma_start3A_220 = arith.constant 0 : i32
      %dma_start3A_221 = tpu.memref_slice %arg6[%dma_start3A_218, %dma_start3A_219, %dma_start3A_220] : memref<16x32x128xf32, #tpu.memory_space<vmem>> -> memref<1x32x128xf32, #tpu.memory_space<vmem>>
      %dma_start3A_222 = tpu.memref_squeeze %dma_start3A_221 : memref<1x32x128xf32, #tpu.memory_space<vmem>> -> memref<32x128xf32, #tpu.memory_space<vmem>>
      %dma_start3A_223 = arith.constant 0 : i32
      %dma_start3A_224 = tpu.memref_slice %arg3[%dma_start3A_223, %multiple_of3A_217] : memref<32x1000000xf32, #tpu.memory_space<hbm>> -> memref<32x128xf32, #tpu.memory_space<hbm>>
      %dma_start3A_225 = arith.constant 0 : i32
      %dma_start3A_226 = arith.constant 0 : i32
      %dma_start3A_227 = tpu.memref_slice %arg6[%dma_start3A_218, %dma_start3A_225, %dma_start3A_226] : memref<16x32x128xf32, #tpu.memory_space<vmem>> -> memref<1x32x128xf32, #tpu.memory_space<vmem>>
      %dma_start3A_228 = tpu.memref_squeeze %dma_start3A_227 : memref<1x32x128xf32, #tpu.memory_space<vmem>> -> memref<32x128xf32, #tpu.memory_space<vmem>>
      %dma_start3A_229 = arith.constant 0 : i32
      %dma_start3A_230 = tpu.memref_slice %arg3[%dma_start3A_229, %multiple_of3A_217] : memref<32x1000000xf32, #tpu.memory_space<hbm>> -> memref<32x128xf32, #tpu.memory_space<hbm>>
      tpu.enqueue_dma source(%dma_start3A_230 : memref<32x128xf32, #tpu.memory_space<hbm>>) target(%dma_start3A_228 : memref<32x128xf32, #tpu.memory_space<vmem>>) target_semaphore(%arg8 : memref<!tpu.dma_semaphore, #tpu.memory_space<semaphore_mem>>)
      %eq3A_231 = arith.constant 7 : i32
      %eq3A_232 = vector.broadcast %eq3A_231 : i32 to vector<16xi32>
      %eq3A_233 = arith.cmpi eq, %iota3A, %eq3A_232 : vector<16xi32>
      %jit3A_234 = arith.constant 0 : i32
      %broadcast_in_dim3A_235 = vector.broadcast %jit3A_234 : i32 to vector<16xi32>
      %select_n3A_236 = arith.select %eq3A_233, %sub3A, %broadcast_in_dim3A_235 : vector<16xi1>, vector<16xi32>
      %reduce_max3A_237 = arith.constant true
      %reduce_max3A_238 = vector.broadcast %reduce_max3A_237 : i1 to vector<16xi1>
      %reduce_max3A_239 = arith.constant -2147483648 : i32
      %reduce_max3A_240 = vector.broadcast %reduce_max3A_239 : i32 to vector<16xi32>
      %reduce_max3A_241 = arith.xori %select_n3A_236, %reduce_max3A_240 : vector<16xi32>
      %reduce_max3A_242 = tpu.scan <max>, %reduce_max3A_241 masked %reduce_max3A_238 : vector<16xi32>, vector<16xi1> -> vector<16xi32>
      %reduce_max3A_243 = arith.xori %reduce_max3A_242, %reduce_max3A_240 : vector<16xi32>
      %reduce_max3A_244 = vector.extract %reduce_max3A_243[15] : i32 from vector<16xi32>
      %multiple_of3A_245 = tpu.assume_multiple %reduce_max3A_244, 128 : i32
      %dma_start3A_246 = arith.constant 7 : i32
      %dma_start3A_247 = arith.constant 0 : i32
      %dma_start3A_248 = arith.constant 0 : i32
      %dma_start3A_249 = tpu.memref_slice %arg6[%dma_start3A_246, %dma_start3A_247, %dma_start3A_248] : memref<16x32x128xf32, #tpu.memory_space<vmem>> -> memref<1x32x128xf32, #tpu.memory_space<vmem>>
      %dma_start3A_250 = tpu.memref_squeeze %dma_start3A_249 : memref<1x32x128xf32, #tpu.memory_space<vmem>> -> memref<32x128xf32, #tpu.memory_space<vmem>>
      %dma_start3A_251 = arith.constant 0 : i32
      %dma_start3A_252 = tpu.memref_slice %arg3[%dma_start3A_251, %multiple_of3A_245] : memref<32x1000000xf32, #tpu.memory_space<hbm>> -> memref<32x128xf32, #tpu.memory_space<hbm>>
      %dma_start3A_253 = arith.constant 0 : i32
      %dma_start3A_254 = arith.constant 0 : i32
      %dma_start3A_255 = tpu.memref_slice %arg6[%dma_start3A_246, %dma_start3A_253, %dma_start3A_254] : memref<16x32x128xf32, #tpu.memory_space<vmem>> -> memref<1x32x128xf32, #tpu.memory_space<vmem>>
      %dma_start3A_256 = tpu.memref_squeeze %dma_start3A_255 : memref<1x32x128xf32, #tpu.memory_space<vmem>> -> memref<32x128xf32, #tpu.memory_space<vmem>>
      %dma_start3A_257 = arith.constant 0 : i32
      %dma_start3A_258 = tpu.memref_slice %arg3[%dma_start3A_257, %multiple_of3A_245] : memref<32x1000000xf32, #tpu.memory_space<hbm>> -> memref<32x128xf32, #tpu.memory_space<hbm>>
      tpu.enqueue_dma source(%dma_start3A_258 : memref<32x128xf32, #tpu.memory_space<hbm>>) target(%dma_start3A_256 : memref<32x128xf32, #tpu.memory_space<vmem>>) target_semaphore(%arg8 : memref<!tpu.dma_semaphore, #tpu.memory_space<semaphore_mem>>)
      %eq3A_259 = arith.constant 8 : i32
      %eq3A_260 = vector.broadcast %eq3A_259 : i32 to vector<16xi32>
      %eq3A_261 = arith.cmpi eq, %iota3A, %eq3A_260 : vector<16xi32>
      %jit3A_262 = arith.constant 0 : i32
      %broadcast_in_dim3A_263 = vector.broadcast %jit3A_262 : i32 to vector<16xi32>
      %select_n3A_264 = arith.select %eq3A_261, %sub3A, %broadcast_in_dim3A_263 : vector<16xi1>, vector<16xi32>
      %reduce_max3A_265 = arith.constant true
      %reduce_max3A_266 = vector.broadcast %reduce_max3A_265 : i1 to vector<16xi1>
      %reduce_max3A_267 = arith.constant -2147483648 : i32
      %reduce_max3A_268 = vector.broadcast %reduce_max3A_267 : i32 to vector<16xi32>
      %reduce_max3A_269 = arith.xori %select_n3A_264, %reduce_max3A_268 : vector<16xi32>
      %reduce_max3A_270 = tpu.scan <max>, %reduce_max3A_269 masked %reduce_max3A_266 : vector<16xi32>, vector<16xi1> -> vector<16xi32>
      %reduce_max3A_271 = arith.xori %reduce_max3A_270, %reduce_max3A_268 : vector<16xi32>
      %reduce_max3A_272 = vector.extract %reduce_max3A_271[15] : i32 from vector<16xi32>
      %multiple_of3A_273 = tpu.assume_multiple %reduce_max3A_272, 128 : i32
      %dma_start3A_274 = arith.constant 8 : i32
      %dma_start3A_275 = arith.constant 0 : i32
      %dma_start3A_276 = arith.constant 0 : i32
      %dma_start3A_277 = tpu.memref_slice %arg6[%dma_start3A_274, %dma_start3A_275, %dma_start3A_276] : memref<16x32x128xf32, #tpu.memory_space<vmem>> -> memref<1x32x128xf32, #tpu.memory_space<vmem>>
      %dma_start3A_278 = tpu.memref_squeeze %dma_start3A_277 : memref<1x32x128xf32, #tpu.memory_space<vmem>> -> memref<32x128xf32, #tpu.memory_space<vmem>>
      %dma_start3A_279 = arith.constant 0 : i32
      %dma_start3A_280 = tpu.memref_slice %arg3[%dma_start3A_279, %multiple_of3A_273] : memref<32x1000000xf32, #tpu.memory_space<hbm>> -> memref<32x128xf32, #tpu.memory_space<hbm>>
      %dma_start3A_281 = arith.constant 0 : i32
      %dma_start3A_282 = arith.constant 0 : i32
      %dma_start3A_283 = tpu.memref_slice %arg6[%dma_start3A_274, %dma_start3A_281, %dma_start3A_282] : memref<16x32x128xf32, #tpu.memory_space<vmem>> -> memref<1x32x128xf32, #tpu.memory_space<vmem>>
      %dma_start3A_284 = tpu.memref_squeeze %dma_start3A_283 : memref<1x32x128xf32, #tpu.memory_space<vmem>> -> memref<32x128xf32, #tpu.memory_space<vmem>>
      %dma_start3A_285 = arith.constant 0 : i32
      %dma_start3A_286 = tpu.memref_slice %arg3[%dma_start3A_285, %multiple_of3A_273] : memref<32x1000000xf32, #tpu.memory_space<hbm>> -> memref<32x128xf32, #tpu.memory_space<hbm>>
      tpu.enqueue_dma source(%dma_start3A_286 : memref<32x128xf32, #tpu.memory_space<hbm>>) target(%dma_start3A_284 : memref<32x128xf32, #tpu.memory_space<vmem>>) target_semaphore(%arg8 : memref<!tpu.dma_semaphore, #tpu.memory_space<semaphore_mem>>)
      %eq3A_287 = arith.constant 9 : i32
      %eq3A_288 = vector.broadcast %eq3A_287 : i32 to vector<16xi32>
      %eq3A_289 = arith.cmpi eq, %iota3A, %eq3A_288 : vector<16xi32>
      %jit3A_290 = arith.constant 0 : i32
      %broadcast_in_dim3A_291 = vector.broadcast %jit3A_290 : i32 to vector<16xi32>
      %select_n3A_292 = arith.select %eq3A_289, %sub3A, %broadcast_in_dim3A_291 : vector<16xi1>, vector<16xi32>
      %reduce_max3A_293 = arith.constant true
      %reduce_max3A_294 = vector.broadcast %reduce_max3A_293 : i1 to vector<16xi1>
      %reduce_max3A_295 = arith.constant -2147483648 : i32
      %reduce_max3A_296 = vector.broadcast %reduce_max3A_295 : i32 to vector<16xi32>
      %reduce_max3A_297 = arith.xori %select_n3A_292, %reduce_max3A_296 : vector<16xi32>
      %reduce_max3A_298 = tpu.scan <max>, %reduce_max3A_297 masked %reduce_max3A_294 : vector<16xi32>, vector<16xi1> -> vector<16xi32>
      %reduce_max3A_299 = arith.xori %reduce_max3A_298, %reduce_max3A_296 : vector<16xi32>
      %reduce_max3A_300 = vector.extract %reduce_max3A_299[15] : i32 from vector<16xi32>
      %multiple_of3A_301 = tpu.assume_multiple %reduce_max3A_300, 128 : i32
      %dma_start3A_302 = arith.constant 9 : i32
      %dma_start3A_303 = arith.constant 0 : i32
      %dma_start3A_304 = arith.constant 0 : i32
      %dma_start3A_305 = tpu.memref_slice %arg6[%dma_start3A_302, %dma_start3A_303, %dma_start3A_304] : memref<16x32x128xf32, #tpu.memory_space<vmem>> -> memref<1x32x128xf32, #tpu.memory_space<vmem>>
      %dma_start3A_306 = tpu.memref_squeeze %dma_start3A_305 : memref<1x32x128xf32, #tpu.memory_space<vmem>> -> memref<32x128xf32, #tpu.memory_space<vmem>>
      %dma_start3A_307 = arith.constant 0 : i32
      %dma_start3A_308 = tpu.memref_slice %arg3[%dma_start3A_307, %multiple_of3A_301] : memref<32x1000000xf32, #tpu.memory_space<hbm>> -> memref<32x128xf32, #tpu.memory_space<hbm>>
      %dma_start3A_309 = arith.constant 0 : i32
      %dma_start3A_310 = arith.constant 0 : i32
      %dma_start3A_311 = tpu.memref_slice %arg6[%dma_start3A_302, %dma_start3A_309, %dma_start3A_310] : memref<16x32x128xf32, #tpu.memory_space<vmem>> -> memref<1x32x128xf32, #tpu.memory_space<vmem>>
      %dma_start3A_312 = tpu.memref_squeeze %dma_start3A_311 : memref<1x32x128xf32, #tpu.memory_space<vmem>> -> memref<32x128xf32, #tpu.memory_space<vmem>>
      %dma_start3A_313 = arith.constant 0 : i32
      %dma_start3A_314 = tpu.memref_slice %arg3[%dma_start3A_313, %multiple_of3A_301] : memref<32x1000000xf32, #tpu.memory_space<hbm>> -> memref<32x128xf32, #tpu.memory_space<hbm>>
      tpu.enqueue_dma source(%dma_start3A_314 : memref<32x128xf32, #tpu.memory_space<hbm>>) target(%dma_start3A_312 : memref<32x128xf32, #tpu.memory_space<vmem>>) target_semaphore(%arg8 : memref<!tpu.dma_semaphore, #tpu.memory_space<semaphore_mem>>)
      %eq3A_315 = arith.constant 10 : i32
      %eq3A_316 = vector.broadcast %eq3A_315 : i32 to vector<16xi32>
      %eq3A_317 = arith.cmpi eq, %iota3A, %eq3A_316 : vector<16xi32>
      %jit3A_318 = arith.constant 0 : i32
      %broadcast_in_dim3A_319 = vector.broadcast %jit3A_318 : i32 to vector<16xi32>
      %select_n3A_320 = arith.select %eq3A_317, %sub3A, %broadcast_in_dim3A_319 : vector<16xi1>, vector<16xi32>
      %reduce_max3A_321 = arith.constant true
      %reduce_max3A_322 = vector.broadcast %reduce_max3A_321 : i1 to vector<16xi1>
      %reduce_max3A_323 = arith.constant -2147483648 : i32
      %reduce_max3A_324 = vector.broadcast %reduce_max3A_323 : i32 to vector<16xi32>
      %reduce_max3A_325 = arith.xori %select_n3A_320, %reduce_max3A_324 : vector<16xi32>
      %reduce_max3A_326 = tpu.scan <max>, %reduce_max3A_325 masked %reduce_max3A_322 : vector<16xi32>, vector<16xi1> -> vector<16xi32>
      %reduce_max3A_327 = arith.xori %reduce_max3A_326, %reduce_max3A_324 : vector<16xi32>
      %reduce_max3A_328 = vector.extract %reduce_max3A_327[15] : i32 from vector<16xi32>
      %multiple_of3A_329 = tpu.assume_multiple %reduce_max3A_328, 128 : i32
      %dma_start3A_330 = arith.constant 10 : i32
      %dma_start3A_331 = arith.constant 0 : i32
      %dma_start3A_332 = arith.constant 0 : i32
      %dma_start3A_333 = tpu.memref_slice %arg6[%dma_start3A_330, %dma_start3A_331, %dma_start3A_332] : memref<16x32x128xf32, #tpu.memory_space<vmem>> -> memref<1x32x128xf32, #tpu.memory_space<vmem>>
      %dma_start3A_334 = tpu.memref_squeeze %dma_start3A_333 : memref<1x32x128xf32, #tpu.memory_space<vmem>> -> memref<32x128xf32, #tpu.memory_space<vmem>>
      %dma_start3A_335 = arith.constant 0 : i32
      %dma_start3A_336 = tpu.memref_slice %arg3[%dma_start3A_335, %multiple_of3A_329] : memref<32x1000000xf32, #tpu.memory_space<hbm>> -> memref<32x128xf32, #tpu.memory_space<hbm>>
      %dma_start3A_337 = arith.constant 0 : i32
      %dma_start3A_338 = arith.constant 0 : i32
      %dma_start3A_339 = tpu.memref_slice %arg6[%dma_start3A_330, %dma_start3A_337, %dma_start3A_338] : memref<16x32x128xf32, #tpu.memory_space<vmem>> -> memref<1x32x128xf32, #tpu.memory_space<vmem>>
      %dma_start3A_340 = tpu.memref_squeeze %dma_start3A_339 : memref<1x32x128xf32, #tpu.memory_space<vmem>> -> memref<32x128xf32, #tpu.memory_space<vmem>>
      %dma_start3A_341 = arith.constant 0 : i32
      %dma_start3A_342 = tpu.memref_slice %arg3[%dma_start3A_341, %multiple_of3A_329] : memref<32x1000000xf32, #tpu.memory_space<hbm>> -> memref<32x128xf32, #tpu.memory_space<hbm>>
      tpu.enqueue_dma source(%dma_start3A_342 : memref<32x128xf32, #tpu.memory_space<hbm>>) target(%dma_start3A_340 : memref<32x128xf32, #tpu.memory_space<vmem>>) target_semaphore(%arg8 : memref<!tpu.dma_semaphore, #tpu.memory_space<semaphore_mem>>)
      %eq3A_343 = arith.constant 11 : i32
      %eq3A_344 = vector.broadcast %eq3A_343 : i32 to vector<16xi32>
      %eq3A_345 = arith.cmpi eq, %iota3A, %eq3A_344 : vector<16xi32>
      %jit3A_346 = arith.constant 0 : i32
      %broadcast_in_dim3A_347 = vector.broadcast %jit3A_346 : i32 to vector<16xi32>
      %select_n3A_348 = arith.select %eq3A_345, %sub3A, %broadcast_in_dim3A_347 : vector<16xi1>, vector<16xi32>
      %reduce_max3A_349 = arith.constant true
      %reduce_max3A_350 = vector.broadcast %reduce_max3A_349 : i1 to vector<16xi1>
      %reduce_max3A_351 = arith.constant -2147483648 : i32
      %reduce_max3A_352 = vector.broadcast %reduce_max3A_351 : i32 to vector<16xi32>
      %reduce_max3A_353 = arith.xori %select_n3A_348, %reduce_max3A_352 : vector<16xi32>
      %reduce_max3A_354 = tpu.scan <max>, %reduce_max3A_353 masked %reduce_max3A_350 : vector<16xi32>, vector<16xi1> -> vector<16xi32>
      %reduce_max3A_355 = arith.xori %reduce_max3A_354, %reduce_max3A_352 : vector<16xi32>
      %reduce_max3A_356 = vector.extract %reduce_max3A_355[15] : i32 from vector<16xi32>
      %multiple_of3A_357 = tpu.assume_multiple %reduce_max3A_356, 128 : i32
      %dma_start3A_358 = arith.constant 11 : i32
      %dma_start3A_359 = arith.constant 0 : i32
      %dma_start3A_360 = arith.constant 0 : i32
      %dma_start3A_361 = tpu.memref_slice %arg6[%dma_start3A_358, %dma_start3A_359, %dma_start3A_360] : memref<16x32x128xf32, #tpu.memory_space<vmem>> -> memref<1x32x128xf32, #tpu.memory_space<vmem>>
      %dma_start3A_362 = tpu.memref_squeeze %dma_start3A_361 : memref<1x32x128xf32, #tpu.memory_space<vmem>> -> memref<32x128xf32, #tpu.memory_space<vmem>>
      %dma_start3A_363 = arith.constant 0 : i32
      %dma_start3A_364 = tpu.memref_slice %arg3[%dma_start3A_363, %multiple_of3A_357] : memref<32x1000000xf32, #tpu.memory_space<hbm>> -> memref<32x128xf32, #tpu.memory_space<hbm>>
      %dma_start3A_365 = arith.constant 0 : i32
      %dma_start3A_366 = arith.constant 0 : i32
      %dma_start3A_367 = tpu.memref_slice %arg6[%dma_start3A_358, %dma_start3A_365, %dma_start3A_366] : memref<16x32x128xf32, #tpu.memory_space<vmem>> -> memref<1x32x128xf32, #tpu.memory_space<vmem>>
      %dma_start3A_368 = tpu.memref_squeeze %dma_start3A_367 : memref<1x32x128xf32, #tpu.memory_space<vmem>> -> memref<32x128xf32, #tpu.memory_space<vmem>>
      %dma_start3A_369 = arith.constant 0 : i32
      %dma_start3A_370 = tpu.memref_slice %arg3[%dma_start3A_369, %multiple_of3A_357] : memref<32x1000000xf32, #tpu.memory_space<hbm>> -> memref<32x128xf32, #tpu.memory_space<hbm>>
      tpu.enqueue_dma source(%dma_start3A_370 : memref<32x128xf32, #tpu.memory_space<hbm>>) target(%dma_start3A_368 : memref<32x128xf32, #tpu.memory_space<vmem>>) target_semaphore(%arg8 : memref<!tpu.dma_semaphore, #tpu.memory_space<semaphore_mem>>)
      %eq3A_371 = arith.constant 12 : i32
      %eq3A_372 = vector.broadcast %eq3A_371 : i32 to vector<16xi32>
      %eq3A_373 = arith.cmpi eq, %iota3A, %eq3A_372 : vector<16xi32>
      %jit3A_374 = arith.constant 0 : i32
      %broadcast_in_dim3A_375 = vector.broadcast %jit3A_374 : i32 to vector<16xi32>
      %select_n3A_376 = arith.select %eq3A_373, %sub3A, %broadcast_in_dim3A_375 : vector<16xi1>, vector<16xi32>
      %reduce_max3A_377 = arith.constant true
      %reduce_max3A_378 = vector.broadcast %reduce_max3A_377 : i1 to vector<16xi1>
      %reduce_max3A_379 = arith.constant -2147483648 : i32
      %reduce_max3A_380 = vector.broadcast %reduce_max3A_379 : i32 to vector<16xi32>
      %reduce_max3A_381 = arith.xori %select_n3A_376, %reduce_max3A_380 : vector<16xi32>
      %reduce_max3A_382 = tpu.scan <max>, %reduce_max3A_381 masked %reduce_max3A_378 : vector<16xi32>, vector<16xi1> -> vector<16xi32>
      %reduce_max3A_383 = arith.xori %reduce_max3A_382, %reduce_max3A_380 : vector<16xi32>
      %reduce_max3A_384 = vector.extract %reduce_max3A_383[15] : i32 from vector<16xi32>
      %multiple_of3A_385 = tpu.assume_multiple %reduce_max3A_384, 128 : i32
      %dma_start3A_386 = arith.constant 12 : i32
      %dma_start3A_387 = arith.constant 0 : i32
      %dma_start3A_388 = arith.constant 0 : i32
      %dma_start3A_389 = tpu.memref_slice %arg6[%dma_start3A_386, %dma_start3A_387, %dma_start3A_388] : memref<16x32x128xf32, #tpu.memory_space<vmem>> -> memref<1x32x128xf32, #tpu.memory_space<vmem>>
      %dma_start3A_390 = tpu.memref_squeeze %dma_start3A_389 : memref<1x32x128xf32, #tpu.memory_space<vmem>> -> memref<32x128xf32, #tpu.memory_space<vmem>>
      %dma_start3A_391 = arith.constant 0 : i32
      %dma_start3A_392 = tpu.memref_slice %arg3[%dma_start3A_391, %multiple_of3A_385] : memref<32x1000000xf32, #tpu.memory_space<hbm>> -> memref<32x128xf32, #tpu.memory_space<hbm>>
      %dma_start3A_393 = arith.constant 0 : i32
      %dma_start3A_394 = arith.constant 0 : i32
      %dma_start3A_395 = tpu.memref_slice %arg6[%dma_start3A_386, %dma_start3A_393, %dma_start3A_394] : memref<16x32x128xf32, #tpu.memory_space<vmem>> -> memref<1x32x128xf32, #tpu.memory_space<vmem>>
      %dma_start3A_396 = tpu.memref_squeeze %dma_start3A_395 : memref<1x32x128xf32, #tpu.memory_space<vmem>> -> memref<32x128xf32, #tpu.memory_space<vmem>>
      %dma_start3A_397 = arith.constant 0 : i32
      %dma_start3A_398 = tpu.memref_slice %arg3[%dma_start3A_397, %multiple_of3A_385] : memref<32x1000000xf32, #tpu.memory_space<hbm>> -> memref<32x128xf32, #tpu.memory_space<hbm>>
      tpu.enqueue_dma source(%dma_start3A_398 : memref<32x128xf32, #tpu.memory_space<hbm>>) target(%dma_start3A_396 : memref<32x128xf32, #tpu.memory_space<vmem>>) target_semaphore(%arg8 : memref<!tpu.dma_semaphore, #tpu.memory_space<semaphore_mem>>)
      %eq3A_399 = arith.constant 13 : i32
      %eq3A_400 = vector.broadcast %eq3A_399 : i32 to vector<16xi32>
      %eq3A_401 = arith.cmpi eq, %iota3A, %eq3A_400 : vector<16xi32>
      %jit3A_402 = arith.constant 0 : i32
      %broadcast_in_dim3A_403 = vector.broadcast %jit3A_402 : i32 to vector<16xi32>
      %select_n3A_404 = arith.select %eq3A_401, %sub3A, %broadcast_in_dim3A_403 : vector<16xi1>, vector<16xi32>
      %reduce_max3A_405 = arith.constant true
      %reduce_max3A_406 = vector.broadcast %reduce_max3A_405 : i1 to vector<16xi1>
      %reduce_max3A_407 = arith.constant -2147483648 : i32
      %reduce_max3A_408 = vector.broadcast %reduce_max3A_407 : i32 to vector<16xi32>
      %reduce_max3A_409 = arith.xori %select_n3A_404, %reduce_max3A_408 : vector<16xi32>
      %reduce_max3A_410 = tpu.scan <max>, %reduce_max3A_409 masked %reduce_max3A_406 : vector<16xi32>, vector<16xi1> -> vector<16xi32>
      %reduce_max3A_411 = arith.xori %reduce_max3A_410, %reduce_max3A_408 : vector<16xi32>
      %reduce_max3A_412 = vector.extract %reduce_max3A_411[15] : i32 from vector<16xi32>
      %multiple_of3A_413 = tpu.assume_multiple %reduce_max3A_412, 128 : i32
      %dma_start3A_414 = arith.constant 13 : i32
      %dma_start3A_415 = arith.constant 0 : i32
      %dma_start3A_416 = arith.constant 0 : i32
      %dma_start3A_417 = tpu.memref_slice %arg6[%dma_start3A_414, %dma_start3A_415, %dma_start3A_416] : memref<16x32x128xf32, #tpu.memory_space<vmem>> -> memref<1x32x128xf32, #tpu.memory_space<vmem>>
      %dma_start3A_418 = tpu.memref_squeeze %dma_start3A_417 : memref<1x32x128xf32, #tpu.memory_space<vmem>> -> memref<32x128xf32, #tpu.memory_space<vmem>>
      %dma_start3A_419 = arith.constant 0 : i32
      %dma_start3A_420 = tpu.memref_slice %arg3[%dma_start3A_419, %multiple_of3A_413] : memref<32x1000000xf32, #tpu.memory_space<hbm>> -> memref<32x128xf32, #tpu.memory_space<hbm>>
      %dma_start3A_421 = arith.constant 0 : i32
      %dma_start3A_422 = arith.constant 0 : i32
      %dma_start3A_423 = tpu.memref_slice %arg6[%dma_start3A_414, %dma_start3A_421, %dma_start3A_422] : memref<16x32x128xf32, #tpu.memory_space<vmem>> -> memref<1x32x128xf32, #tpu.memory_space<vmem>>
      %dma_start3A_424 = tpu.memref_squeeze %dma_start3A_423 : memref<1x32x128xf32, #tpu.memory_space<vmem>> -> memref<32x128xf32, #tpu.memory_space<vmem>>
      %dma_start3A_425 = arith.constant 0 : i32
      %dma_start3A_426 = tpu.memref_slice %arg3[%dma_start3A_425, %multiple_of3A_413] : memref<32x1000000xf32, #tpu.memory_space<hbm>> -> memref<32x128xf32, #tpu.memory_space<hbm>>
      tpu.enqueue_dma source(%dma_start3A_426 : memref<32x128xf32, #tpu.memory_space<hbm>>) target(%dma_start3A_424 : memref<32x128xf32, #tpu.memory_space<vmem>>) target_semaphore(%arg8 : memref<!tpu.dma_semaphore, #tpu.memory_space<semaphore_mem>>)
      %eq3A_427 = arith.constant 14 : i32
      %eq3A_428 = vector.broadcast %eq3A_427 : i32 to vector<16xi32>
      %eq3A_429 = arith.cmpi eq, %iota3A, %eq3A_428 : vector<16xi32>
      %jit3A_430 = arith.constant 0 : i32
      %broadcast_in_dim3A_431 = vector.broadcast %jit3A_430 : i32 to vector<16xi32>
      %select_n3A_432 = arith.select %eq3A_429, %sub3A, %broadcast_in_dim3A_431 : vector<16xi1>, vector<16xi32>
      %reduce_max3A_433 = arith.constant true
      %reduce_max3A_434 = vector.broadcast %reduce_max3A_433 : i1 to vector<16xi1>
      %reduce_max3A_435 = arith.constant -2147483648 : i32
      %reduce_max3A_436 = vector.broadcast %reduce_max3A_435 : i32 to vector<16xi32>
      %reduce_max3A_437 = arith.xori %select_n3A_432, %reduce_max3A_436 : vector<16xi32>
      %reduce_max3A_438 = tpu.scan <max>, %reduce_max3A_437 masked %reduce_max3A_434 : vector<16xi32>, vector<16xi1> -> vector<16xi32>
      %reduce_max3A_439 = arith.xori %reduce_max3A_438, %reduce_max3A_436 : vector<16xi32>
      %reduce_max3A_440 = vector.extract %reduce_max3A_439[15] : i32 from vector<16xi32>
      %multiple_of3A_441 = tpu.assume_multiple %reduce_max3A_440, 128 : i32
      %dma_start3A_442 = arith.constant 14 : i32
      %dma_start3A_443 = arith.constant 0 : i32
      %dma_start3A_444 = arith.constant 0 : i32
      %dma_start3A_445 = tpu.memref_slice %arg6[%dma_start3A_442, %dma_start3A_443, %dma_start3A_444] : memref<16x32x128xf32, #tpu.memory_space<vmem>> -> memref<1x32x128xf32, #tpu.memory_space<vmem>>
      %dma_start3A_446 = tpu.memref_squeeze %dma_start3A_445 : memref<1x32x128xf32, #tpu.memory_space<vmem>> -> memref<32x128xf32, #tpu.memory_space<vmem>>
      %dma_start3A_447 = arith.constant 0 : i32
      %dma_start3A_448 = tpu.memref_slice %arg3[%dma_start3A_447, %multiple_of3A_441] : memref<32x1000000xf32, #tpu.memory_space<hbm>> -> memref<32x128xf32, #tpu.memory_space<hbm>>
      %dma_start3A_449 = arith.constant 0 : i32
      %dma_start3A_450 = arith.constant 0 : i32
      %dma_start3A_451 = tpu.memref_slice %arg6[%dma_start3A_442, %dma_start3A_449, %dma_start3A_450] : memref<16x32x128xf32, #tpu.memory_space<vmem>> -> memref<1x32x128xf32, #tpu.memory_space<vmem>>
      %dma_start3A_452 = tpu.memref_squeeze %dma_start3A_451 : memref<1x32x128xf32, #tpu.memory_space<vmem>> -> memref<32x128xf32, #tpu.memory_space<vmem>>
      %dma_start3A_453 = arith.constant 0 : i32
      %dma_start3A_454 = tpu.memref_slice %arg3[%dma_start3A_453, %multiple_of3A_441] : memref<32x1000000xf32, #tpu.memory_space<hbm>> -> memref<32x128xf32, #tpu.memory_space<hbm>>
      tpu.enqueue_dma source(%dma_start3A_454 : memref<32x128xf32, #tpu.memory_space<hbm>>) target(%dma_start3A_452 : memref<32x128xf32, #tpu.memory_space<vmem>>) target_semaphore(%arg8 : memref<!tpu.dma_semaphore, #tpu.memory_space<semaphore_mem>>)
      %eq3A_455 = arith.constant 15 : i32
      %eq3A_456 = vector.broadcast %eq3A_455 : i32 to vector<16xi32>
      %eq3A_457 = arith.cmpi eq, %iota3A, %eq3A_456 : vector<16xi32>
      %jit3A_458 = arith.constant 0 : i32
      %broadcast_in_dim3A_459 = vector.broadcast %jit3A_458 : i32 to vector<16xi32>
      %select_n3A_460 = arith.select %eq3A_457, %sub3A, %broadcast_in_dim3A_459 : vector<16xi1>, vector<16xi32>
      %reduce_max3A_461 = arith.constant true
      %reduce_max3A_462 = vector.broadcast %reduce_max3A_461 : i1 to vector<16xi1>
      %reduce_max3A_463 = arith.constant -2147483648 : i32
      %reduce_max3A_464 = vector.broadcast %reduce_max3A_463 : i32 to vector<16xi32>
      %reduce_max3A_465 = arith.xori %select_n3A_460, %reduce_max3A_464 : vector<16xi32>
      %reduce_max3A_466 = tpu.scan <max>, %reduce_max3A_465 masked %reduce_max3A_462 : vector<16xi32>, vector<16xi1> -> vector<16xi32>
      %reduce_max3A_467 = arith.xori %reduce_max3A_466, %reduce_max3A_464 : vector<16xi32>
      %reduce_max3A_468 = vector.extract %reduce_max3A_467[15] : i32 from vector<16xi32>
      %multiple_of3A_469 = tpu.assume_multiple %reduce_max3A_468, 128 : i32
      %dma_start3A_470 = arith.constant 15 : i32
      %dma_start3A_471 = arith.constant 0 : i32
      %dma_start3A_472 = arith.constant 0 : i32
      %dma_start3A_473 = tpu.memref_slice %arg6[%dma_start3A_470, %dma_start3A_471, %dma_start3A_472] : memref<16x32x128xf32, #tpu.memory_space<vmem>> -> memref<1x32x128xf32, #tpu.memory_space<vmem>>
      %dma_start3A_474 = tpu.memref_squeeze %dma_start3A_473 : memref<1x32x128xf32, #tpu.memory_space<vmem>> -> memref<32x128xf32, #tpu.memory_space<vmem>>
      %dma_start3A_475 = arith.constant 0 : i32
      %dma_start3A_476 = tpu.memref_slice %arg3[%dma_start3A_475, %multiple_of3A_469] : memref<32x1000000xf32, #tpu.memory_space<hbm>> -> memref<32x128xf32, #tpu.memory_space<hbm>>
      %dma_start3A_477 = arith.constant 0 : i32
      %dma_start3A_478 = arith.constant 0 : i32
      %dma_start3A_479 = tpu.memref_slice %arg6[%dma_start3A_470, %dma_start3A_477, %dma_start3A_478] : memref<16x32x128xf32, #tpu.memory_space<vmem>> -> memref<1x32x128xf32, #tpu.memory_space<vmem>>
      %dma_start3A_480 = tpu.memref_squeeze %dma_start3A_479 : memref<1x32x128xf32, #tpu.memory_space<vmem>> -> memref<32x128xf32, #tpu.memory_space<vmem>>
      %dma_start3A_481 = arith.constant 0 : i32
      %dma_start3A_482 = tpu.memref_slice %arg3[%dma_start3A_481, %multiple_of3A_469] : memref<32x1000000xf32, #tpu.memory_space<hbm>> -> memref<32x128xf32, #tpu.memory_space<hbm>>
      tpu.enqueue_dma source(%dma_start3A_482 : memref<32x128xf32, #tpu.memory_space<hbm>>) target(%dma_start3A_480 : memref<32x128xf32, #tpu.memory_space<vmem>>) target_semaphore(%arg8 : memref<!tpu.dma_semaphore, #tpu.memory_space<semaphore_mem>>)
      %dma_wait3A_483 = arith.constant 0 : i32
      %dma_wait3A_484 = arith.constant 0 : i32
      %dma_wait3A_485 = arith.constant 0 : i32
      %dma_wait3A_486 = tpu.memref_slice %arg6[%dma_wait3A_483, %dma_wait3A_484, %dma_wait3A_485] : memref<16x32x128xf32, #tpu.memory_space<vmem>> -> memref<1x32x128xf32, #tpu.memory_space<vmem>>
      %dma_wait3A_487 = tpu.memref_squeeze %dma_wait3A_486 : memref<1x32x128xf32, #tpu.memory_space<vmem>> -> memref<32x128xf32, #tpu.memory_space<vmem>>
      %dma_wait3A_488 = arith.constant 0 : i32
      %dma_wait3A_489 = tpu.memref_slice %arg3[%dma_wait3A_488, %multiple_of3A] : memref<32x1000000xf32, #tpu.memory_space<hbm>> -> memref<32x128xf32, #tpu.memory_space<hbm>>
      %dma_wait3A_490 = arith.constant 0 : i32
      %dma_wait3A_491 = arith.constant 0 : i32
      %dma_wait3A_492 = tpu.memref_slice %arg6[%dma_wait3A_483, %dma_wait3A_490, %dma_wait3A_491] : memref<16x32x128xf32, #tpu.memory_space<vmem>> -> memref<1x32x128xf32, #tpu.memory_space<vmem>>
      %dma_wait3A_493 = tpu.memref_squeeze %dma_wait3A_492 : memref<1x32x128xf32, #tpu.memory_space<vmem>> -> memref<32x128xf32, #tpu.memory_space<vmem>>
      %dma_wait3A_494 = arith.constant 0 : i32
      %dma_wait3A_495 = tpu.memref_slice %arg3[%dma_wait3A_494, %multiple_of3A] : memref<32x1000000xf32, #tpu.memory_space<hbm>> -> memref<32x128xf32, #tpu.memory_space<hbm>>
      tpu.wait_dma2 semaphore(%arg8 : memref<!tpu.dma_semaphore, #tpu.memory_space<semaphore_mem>>) src(%dma_wait3A_495 : memref<32x128xf32, #tpu.memory_space<hbm>>) dst(%dma_wait3A_493 : memref<32x128xf32, #tpu.memory_space<vmem>>)
      %dma_wait3A_496 = arith.constant 1 : i32
      %dma_wait3A_497 = arith.constant 0 : i32
      %dma_wait3A_498 = arith.constant 0 : i32
      %dma_wait3A_499 = tpu.memref_slice %arg6[%dma_wait3A_496, %dma_wait3A_497, %dma_wait3A_498] : memref<16x32x128xf32, #tpu.memory_space<vmem>> -> memref<1x32x128xf32, #tpu.memory_space<vmem>>
      %dma_wait3A_500 = tpu.memref_squeeze %dma_wait3A_499 : memref<1x32x128xf32, #tpu.memory_space<vmem>> -> memref<32x128xf32, #tpu.memory_space<vmem>>
      %dma_wait3A_501 = arith.constant 0 : i32
      %dma_wait3A_502 = tpu.memref_slice %arg3[%dma_wait3A_501, %multiple_of3A_77] : memref<32x1000000xf32, #tpu.memory_space<hbm>> -> memref<32x128xf32, #tpu.memory_space<hbm>>
      %dma_wait3A_503 = arith.constant 0 : i32
      %dma_wait3A_504 = arith.constant 0 : i32
      %dma_wait3A_505 = tpu.memref_slice %arg6[%dma_wait3A_496, %dma_wait3A_503, %dma_wait3A_504] : memref<16x32x128xf32, #tpu.memory_space<vmem>> -> memref<1x32x128xf32, #tpu.memory_space<vmem>>
      %dma_wait3A_506 = tpu.memref_squeeze %dma_wait3A_505 : memref<1x32x128xf32, #tpu.memory_space<vmem>> -> memref<32x128xf32, #tpu.memory_space<vmem>>
      %dma_wait3A_507 = arith.constant 0 : i32
      %dma_wait3A_508 = tpu.memref_slice %arg3[%dma_wait3A_507, %multiple_of3A_77] : memref<32x1000000xf32, #tpu.memory_space<hbm>> -> memref<32x128xf32, #tpu.memory_space<hbm>>
      tpu.wait_dma2 semaphore(%arg8 : memref<!tpu.dma_semaphore, #tpu.memory_space<semaphore_mem>>) src(%dma_wait3A_508 : memref<32x128xf32, #tpu.memory_space<hbm>>) dst(%dma_wait3A_506 : memref<32x128xf32, #tpu.memory_space<vmem>>)
      %dma_wait3A_509 = arith.constant 2 : i32
      %dma_wait3A_510 = arith.constant 0 : i32
      %dma_wait3A_511 = arith.constant 0 : i32
      %dma_wait3A_512 = tpu.memref_slice %arg6[%dma_wait3A_509, %dma_wait3A_510, %dma_wait3A_511] : memref<16x32x128xf32, #tpu.memory_space<vmem>> -> memref<1x32x128xf32, #tpu.memory_space<vmem>>
      %dma_wait3A_513 = tpu.memref_squeeze %dma_wait3A_512 : memref<1x32x128xf32, #tpu.memory_space<vmem>> -> memref<32x128xf32, #tpu.memory_space<vmem>>
      %dma_wait3A_514 = arith.constant 0 : i32
      %dma_wait3A_515 = tpu.memref_slice %arg3[%dma_wait3A_514, %multiple_of3A_105] : memref<32x1000000xf32, #tpu.memory_space<hbm>> -> memref<32x128xf32, #tpu.memory_space<hbm>>
      %dma_wait3A_516 = arith.constant 0 : i32
      %dma_wait3A_517 = arith.constant 0 : i32
      %dma_wait3A_518 = tpu.memref_slice %arg6[%dma_wait3A_509, %dma_wait3A_516, %dma_wait3A_517] : memref<16x32x128xf32, #tpu.memory_space<vmem>> -> memref<1x32x128xf32, #tpu.memory_space<vmem>>
      %dma_wait3A_519 = tpu.memref_squeeze %dma_wait3A_518 : memref<1x32x128xf32, #tpu.memory_space<vmem>> -> memref<32x128xf32, #tpu.memory_space<vmem>>
      %dma_wait3A_520 = arith.constant 0 : i32
      %dma_wait3A_521 = tpu.memref_slice %arg3[%dma_wait3A_520, %multiple_of3A_105] : memref<32x1000000xf32, #tpu.memory_space<hbm>> -> memref<32x128xf32, #tpu.memory_space<hbm>>
      tpu.wait_dma2 semaphore(%arg8 : memref<!tpu.dma_semaphore, #tpu.memory_space<semaphore_mem>>) src(%dma_wait3A_521 : memref<32x128xf32, #tpu.memory_space<hbm>>) dst(%dma_wait3A_519 : memref<32x128xf32, #tpu.memory_space<vmem>>)
      %dma_wait3A_522 = arith.constant 3 : i32
      %dma_wait3A_523 = arith.constant 0 : i32
      %dma_wait3A_524 = arith.constant 0 : i32
      %dma_wait3A_525 = tpu.memref_slice %arg6[%dma_wait3A_522, %dma_wait3A_523, %dma_wait3A_524] : memref<16x32x128xf32, #tpu.memory_space<vmem>> -> memref<1x32x128xf32, #tpu.memory_space<vmem>>
      %dma_wait3A_526 = tpu.memref_squeeze %dma_wait3A_525 : memref<1x32x128xf32, #tpu.memory_space<vmem>> -> memref<32x128xf32, #tpu.memory_space<vmem>>
      %dma_wait3A_527 = arith.constant 0 : i32
      %dma_wait3A_528 = tpu.memref_slice %arg3[%dma_wait3A_527, %multiple_of3A_133] : memref<32x1000000xf32, #tpu.memory_space<hbm>> -> memref<32x128xf32, #tpu.memory_space<hbm>>
      %dma_wait3A_529 = arith.constant 0 : i32
      %dma_wait3A_530 = arith.constant 0 : i32
      %dma_wait3A_531 = tpu.memref_slice %arg6[%dma_wait3A_522, %dma_wait3A_529, %dma_wait3A_530] : memref<16x32x128xf32, #tpu.memory_space<vmem>> -> memref<1x32x128xf32, #tpu.memory_space<vmem>>
      %dma_wait3A_532 = tpu.memref_squeeze %dma_wait3A_531 : memref<1x32x128xf32, #tpu.memory_space<vmem>> -> memref<32x128xf32, #tpu.memory_space<vmem>>
      %dma_wait3A_533 = arith.constant 0 : i32
      %dma_wait3A_534 = tpu.memref_slice %arg3[%dma_wait3A_533, %multiple_of3A_133] : memref<32x1000000xf32, #tpu.memory_space<hbm>> -> memref<32x128xf32, #tpu.memory_space<hbm>>
      tpu.wait_dma2 semaphore(%arg8 : memref<!tpu.dma_semaphore, #tpu.memory_space<semaphore_mem>>) src(%dma_wait3A_534 : memref<32x128xf32, #tpu.memory_space<hbm>>) dst(%dma_wait3A_532 : memref<32x128xf32, #tpu.memory_space<vmem>>)
      %dma_wait3A_535 = arith.constant 4 : i32
      %dma_wait3A_536 = arith.constant 0 : i32
      %dma_wait3A_537 = arith.constant 0 : i32
      %dma_wait3A_538 = tpu.memref_slice %arg6[%dma_wait3A_535, %dma_wait3A_536, %dma_wait3A_537] : memref<16x32x128xf32, #tpu.memory_space<vmem>> -> memref<1x32x128xf32, #tpu.memory_space<vmem>>
      %dma_wait3A_539 = tpu.memref_squeeze %dma_wait3A_538 : memref<1x32x128xf32, #tpu.memory_space<vmem>> -> memref<32x128xf32, #tpu.memory_space<vmem>>
      %dma_wait3A_540 = arith.constant 0 : i32
      %dma_wait3A_541 = tpu.memref_slice %arg3[%dma_wait3A_540, %multiple_of3A_161] : memref<32x1000000xf32, #tpu.memory_space<hbm>> -> memref<32x128xf32, #tpu.memory_space<hbm>>
      %dma_wait3A_542 = arith.constant 0 : i32
      %dma_wait3A_543 = arith.constant 0 : i32
      %dma_wait3A_544 = tpu.memref_slice %arg6[%dma_wait3A_535, %dma_wait3A_542, %dma_wait3A_543] : memref<16x32x128xf32, #tpu.memory_space<vmem>> -> memref<1x32x128xf32, #tpu.memory_space<vmem>>
      %dma_wait3A_545 = tpu.memref_squeeze %dma_wait3A_544 : memref<1x32x128xf32, #tpu.memory_space<vmem>> -> memref<32x128xf32, #tpu.memory_space<vmem>>
      %dma_wait3A_546 = arith.constant 0 : i32
      %dma_wait3A_547 = tpu.memref_slice %arg3[%dma_wait3A_546, %multiple_of3A_161] : memref<32x1000000xf32, #tpu.memory_space<hbm>> -> memref<32x128xf32, #tpu.memory_space<hbm>>
      tpu.wait_dma2 semaphore(%arg8 : memref<!tpu.dma_semaphore, #tpu.memory_space<semaphore_mem>>) src(%dma_wait3A_547 : memref<32x128xf32, #tpu.memory_space<hbm>>) dst(%dma_wait3A_545 : memref<32x128xf32, #tpu.memory_space<vmem>>)
      %dma_wait3A_548 = arith.constant 5 : i32
      %dma_wait3A_549 = arith.constant 0 : i32
      %dma_wait3A_550 = arith.constant 0 : i32
      %dma_wait3A_551 = tpu.memref_slice %arg6[%dma_wait3A_548, %dma_wait3A_549, %dma_wait3A_550] : memref<16x32x128xf32, #tpu.memory_space<vmem>> -> memref<1x32x128xf32, #tpu.memory_space<vmem>>
      %dma_wait3A_552 = tpu.memref_squeeze %dma_wait3A_551 : memref<1x32x128xf32, #tpu.memory_space<vmem>> -> memref<32x128xf32, #tpu.memory_space<vmem>>
      %dma_wait3A_553 = arith.constant 0 : i32
      %dma_wait3A_554 = tpu.memref_slice %arg3[%dma_wait3A_553, %multiple_of3A_189] : memref<32x1000000xf32, #tpu.memory_space<hbm>> -> memref<32x128xf32, #tpu.memory_space<hbm>>
      %dma_wait3A_555 = arith.constant 0 : i32
      %dma_wait3A_556 = arith.constant 0 : i32
      %dma_wait3A_557 = tpu.memref_slice %arg6[%dma_wait3A_548, %dma_wait3A_555, %dma_wait3A_556] : memref<16x32x128xf32, #tpu.memory_space<vmem>> -> memref<1x32x128xf32, #tpu.memory_space<vmem>>
      %dma_wait3A_558 = tpu.memref_squeeze %dma_wait3A_557 : memref<1x32x128xf32, #tpu.memory_space<vmem>> -> memref<32x128xf32, #tpu.memory_space<vmem>>
      %dma_wait3A_559 = arith.constant 0 : i32
      %dma_wait3A_560 = tpu.memref_slice %arg3[%dma_wait3A_559, %multiple_of3A_189] : memref<32x1000000xf32, #tpu.memory_space<hbm>> -> memref<32x128xf32, #tpu.memory_space<hbm>>
      tpu.wait_dma2 semaphore(%arg8 : memref<!tpu.dma_semaphore, #tpu.memory_space<semaphore_mem>>) src(%dma_wait3A_560 : memref<32x128xf32, #tpu.memory_space<hbm>>) dst(%dma_wait3A_558 : memref<32x128xf32, #tpu.memory_space<vmem>>)
      %dma_wait3A_561 = arith.constant 6 : i32
      %dma_wait3A_562 = arith.constant 0 : i32
      %dma_wait3A_563 = arith.constant 0 : i32
      %dma_wait3A_564 = tpu.memref_slice %arg6[%dma_wait3A_561, %dma_wait3A_562, %dma_wait3A_563] : memref<16x32x128xf32, #tpu.memory_space<vmem>> -> memref<1x32x128xf32, #tpu.memory_space<vmem>>
      %dma_wait3A_565 = tpu.memref_squeeze %dma_wait3A_564 : memref<1x32x128xf32, #tpu.memory_space<vmem>> -> memref<32x128xf32, #tpu.memory_space<vmem>>
      %dma_wait3A_566 = arith.constant 0 : i32
      %dma_wait3A_567 = tpu.memref_slice %arg3[%dma_wait3A_566, %multiple_of3A_217] : memref<32x1000000xf32, #tpu.memory_space<hbm>> -> memref<32x128xf32, #tpu.memory_space<hbm>>
      %dma_wait3A_568 = arith.constant 0 : i32
      %dma_wait3A_569 = arith.constant 0 : i32
      %dma_wait3A_570 = tpu.memref_slice %arg6[%dma_wait3A_561, %dma_wait3A_568, %dma_wait3A_569] : memref<16x32x128xf32, #tpu.memory_space<vmem>> -> memref<1x32x128xf32, #tpu.memory_space<vmem>>
      %dma_wait3A_571 = tpu.memref_squeeze %dma_wait3A_570 : memref<1x32x128xf32, #tpu.memory_space<vmem>> -> memref<32x128xf32, #tpu.memory_space<vmem>>
      %dma_wait3A_572 = arith.constant 0 : i32
      %dma_wait3A_573 = tpu.memref_slice %arg3[%dma_wait3A_572, %multiple_of3A_217] : memref<32x1000000xf32, #tpu.memory_space<hbm>> -> memref<32x128xf32, #tpu.memory_space<hbm>>
      tpu.wait_dma2 semaphore(%arg8 : memref<!tpu.dma_semaphore, #tpu.memory_space<semaphore_mem>>) src(%dma_wait3A_573 : memref<32x128xf32, #tpu.memory_space<hbm>>) dst(%dma_wait3A_571 : memref<32x128xf32, #tpu.memory_space<vmem>>)
      %dma_wait3A_574 = arith.constant 7 : i32
      %dma_wait3A_575 = arith.constant 0 : i32
      %dma_wait3A_576 = arith.constant 0 : i32
      %dma_wait3A_577 = tpu.memref_slice %arg6[%dma_wait3A_574, %dma_wait3A_575, %dma_wait3A_576] : memref<16x32x128xf32, #tpu.memory_space<vmem>> -> memref<1x32x128xf32, #tpu.memory_space<vmem>>
      %dma_wait3A_578 = tpu.memref_squeeze %dma_wait3A_577 : memref<1x32x128xf32, #tpu.memory_space<vmem>> -> memref<32x128xf32, #tpu.memory_space<vmem>>
      %dma_wait3A_579 = arith.constant 0 : i32
      %dma_wait3A_580 = tpu.memref_slice %arg3[%dma_wait3A_579, %multiple_of3A_245] : memref<32x1000000xf32, #tpu.memory_space<hbm>> -> memref<32x128xf32, #tpu.memory_space<hbm>>
      %dma_wait3A_581 = arith.constant 0 : i32
      %dma_wait3A_582 = arith.constant 0 : i32
      %dma_wait3A_583 = tpu.memref_slice %arg6[%dma_wait3A_574, %dma_wait3A_581, %dma_wait3A_582] : memref<16x32x128xf32, #tpu.memory_space<vmem>> -> memref<1x32x128xf32, #tpu.memory_space<vmem>>
      %dma_wait3A_584 = tpu.memref_squeeze %dma_wait3A_583 : memref<1x32x128xf32, #tpu.memory_space<vmem>> -> memref<32x128xf32, #tpu.memory_space<vmem>>
      %dma_wait3A_585 = arith.constant 0 : i32
      %dma_wait3A_586 = tpu.memref_slice %arg3[%dma_wait3A_585, %multiple_of3A_245] : memref<32x1000000xf32, #tpu.memory_space<hbm>> -> memref<32x128xf32, #tpu.memory_space<hbm>>
      tpu.wait_dma2 semaphore(%arg8 : memref<!tpu.dma_semaphore, #tpu.memory_space<semaphore_mem>>) src(%dma_wait3A_586 : memref<32x128xf32, #tpu.memory_space<hbm>>) dst(%dma_wait3A_584 : memref<32x128xf32, #tpu.memory_space<vmem>>)
      %dma_wait3A_587 = arith.constant 8 : i32
      %dma_wait3A_588 = arith.constant 0 : i32
      %dma_wait3A_589 = arith.constant 0 : i32
      %dma_wait3A_590 = tpu.memref_slice %arg6[%dma_wait3A_587, %dma_wait3A_588, %dma_wait3A_589] : memref<16x32x128xf32, #tpu.memory_space<vmem>> -> memref<1x32x128xf32, #tpu.memory_space<vmem>>
      %dma_wait3A_591 = tpu.memref_squeeze %dma_wait3A_590 : memref<1x32x128xf32, #tpu.memory_space<vmem>> -> memref<32x128xf32, #tpu.memory_space<vmem>>
      %dma_wait3A_592 = arith.constant 0 : i32
      %dma_wait3A_593 = tpu.memref_slice %arg3[%dma_wait3A_592, %multiple_of3A_273] : memref<32x1000000xf32, #tpu.memory_space<hbm>> -> memref<32x128xf32, #tpu.memory_space<hbm>>
      %dma_wait3A_594 = arith.constant 0 : i32
      %dma_wait3A_595 = arith.constant 0 : i32
      %dma_wait3A_596 = tpu.memref_slice %arg6[%dma_wait3A_587, %dma_wait3A_594, %dma_wait3A_595] : memref<16x32x128xf32, #tpu.memory_space<vmem>> -> memref<1x32x128xf32, #tpu.memory_space<vmem>>
      %dma_wait3A_597 = tpu.memref_squeeze %dma_wait3A_596 : memref<1x32x128xf32, #tpu.memory_space<vmem>> -> memref<32x128xf32, #tpu.memory_space<vmem>>
      %dma_wait3A_598 = arith.constant 0 : i32
      %dma_wait3A_599 = tpu.memref_slice %arg3[%dma_wait3A_598, %multiple_of3A_273] : memref<32x1000000xf32, #tpu.memory_space<hbm>> -> memref<32x128xf32, #tpu.memory_space<hbm>>
      tpu.wait_dma2 semaphore(%arg8 : memref<!tpu.dma_semaphore, #tpu.memory_space<semaphore_mem>>) src(%dma_wait3A_599 : memref<32x128xf32, #tpu.memory_space<hbm>>) dst(%dma_wait3A_597 : memref<32x128xf32, #tpu.memory_space<vmem>>)
      %dma_wait3A_600 = arith.constant 9 : i32
      %dma_wait3A_601 = arith.constant 0 : i32
      %dma_wait3A_602 = arith.constant 0 : i32
      %dma_wait3A_603 = tpu.memref_slice %arg6[%dma_wait3A_600, %dma_wait3A_601, %dma_wait3A_602] : memref<16x32x128xf32, #tpu.memory_space<vmem>> -> memref<1x32x128xf32, #tpu.memory_space<vmem>>
      %dma_wait3A_604 = tpu.memref_squeeze %dma_wait3A_603 : memref<1x32x128xf32, #tpu.memory_space<vmem>> -> memref<32x128xf32, #tpu.memory_space<vmem>>
      %dma_wait3A_605 = arith.constant 0 : i32
      %dma_wait3A_606 = tpu.memref_slice %arg3[%dma_wait3A_605, %multiple_of3A_301] : memref<32x1000000xf32, #tpu.memory_space<hbm>> -> memref<32x128xf32, #tpu.memory_space<hbm>>
      %dma_wait3A_607 = arith.constant 0 : i32
      %dma_wait3A_608 = arith.constant 0 : i32
      %dma_wait3A_609 = tpu.memref_slice %arg6[%dma_wait3A_600, %dma_wait3A_607, %dma_wait3A_608] : memref<16x32x128xf32, #tpu.memory_space<vmem>> -> memref<1x32x128xf32, #tpu.memory_space<vmem>>
      %dma_wait3A_610 = tpu.memref_squeeze %dma_wait3A_609 : memref<1x32x128xf32, #tpu.memory_space<vmem>> -> memref<32x128xf32, #tpu.memory_space<vmem>>
      %dma_wait3A_611 = arith.constant 0 : i32
      %dma_wait3A_612 = tpu.memref_slice %arg3[%dma_wait3A_611, %multiple_of3A_301] : memref<32x1000000xf32, #tpu.memory_space<hbm>> -> memref<32x128xf32, #tpu.memory_space<hbm>>
      tpu.wait_dma2 semaphore(%arg8 : memref<!tpu.dma_semaphore, #tpu.memory_space<semaphore_mem>>) src(%dma_wait3A_612 : memref<32x128xf32, #tpu.memory_space<hbm>>) dst(%dma_wait3A_610 : memref<32x128xf32, #tpu.memory_space<vmem>>)
      %dma_wait3A_613 = arith.constant 10 : i32
      %dma_wait3A_614 = arith.constant 0 : i32
      %dma_wait3A_615 = arith.constant 0 : i32
      %dma_wait3A_616 = tpu.memref_slice %arg6[%dma_wait3A_613, %dma_wait3A_614, %dma_wait3A_615] : memref<16x32x128xf32, #tpu.memory_space<vmem>> -> memref<1x32x128xf32, #tpu.memory_space<vmem>>
      %dma_wait3A_617 = tpu.memref_squeeze %dma_wait3A_616 : memref<1x32x128xf32, #tpu.memory_space<vmem>> -> memref<32x128xf32, #tpu.memory_space<vmem>>
      %dma_wait3A_618 = arith.constant 0 : i32
      %dma_wait3A_619 = tpu.memref_slice %arg3[%dma_wait3A_618, %multiple_of3A_329] : memref<32x1000000xf32, #tpu.memory_space<hbm>> -> memref<32x128xf32, #tpu.memory_space<hbm>>
      %dma_wait3A_620 = arith.constant 0 : i32
      %dma_wait3A_621 = arith.constant 0 : i32
      %dma_wait3A_622 = tpu.memref_slice %arg6[%dma_wait3A_613, %dma_wait3A_620, %dma_wait3A_621] : memref<16x32x128xf32, #tpu.memory_space<vmem>> -> memref<1x32x128xf32, #tpu.memory_space<vmem>>
      %dma_wait3A_623 = tpu.memref_squeeze %dma_wait3A_622 : memref<1x32x128xf32, #tpu.memory_space<vmem>> -> memref<32x128xf32, #tpu.memory_space<vmem>>
      %dma_wait3A_624 = arith.constant 0 : i32
      %dma_wait3A_625 = tpu.memref_slice %arg3[%dma_wait3A_624, %multiple_of3A_329] : memref<32x1000000xf32, #tpu.memory_space<hbm>> -> memref<32x128xf32, #tpu.memory_space<hbm>>
      tpu.wait_dma2 semaphore(%arg8 : memref<!tpu.dma_semaphore, #tpu.memory_space<semaphore_mem>>) src(%dma_wait3A_625 : memref<32x128xf32, #tpu.memory_space<hbm>>) dst(%dma_wait3A_623 : memref<32x128xf32, #tpu.memory_space<vmem>>)
      %dma_wait3A_626 = arith.constant 11 : i32
      %dma_wait3A_627 = arith.constant 0 : i32
      %dma_wait3A_628 = arith.constant 0 : i32
      %dma_wait3A_629 = tpu.memref_slice %arg6[%dma_wait3A_626, %dma_wait3A_627, %dma_wait3A_628] : memref<16x32x128xf32, #tpu.memory_space<vmem>> -> memref<1x32x128xf32, #tpu.memory_space<vmem>>
      %dma_wait3A_630 = tpu.memref_squeeze %dma_wait3A_629 : memref<1x32x128xf32, #tpu.memory_space<vmem>> -> memref<32x128xf32, #tpu.memory_space<vmem>>
      %dma_wait3A_631 = arith.constant 0 : i32
      %dma_wait3A_632 = tpu.memref_slice %arg3[%dma_wait3A_631, %multiple_of3A_357] : memref<32x1000000xf32, #tpu.memory_space<hbm>> -> memref<32x128xf32, #tpu.memory_space<hbm>>
      %dma_wait3A_633 = arith.constant 0 : i32
      %dma_wait3A_634 = arith.constant 0 : i32
      %dma_wait3A_635 = tpu.memref_slice %arg6[%dma_wait3A_626, %dma_wait3A_633, %dma_wait3A_634] : memref<16x32x128xf32, #tpu.memory_space<vmem>> -> memref<1x32x128xf32, #tpu.memory_space<vmem>>
      %dma_wait3A_636 = tpu.memref_squeeze %dma_wait3A_635 : memref<1x32x128xf32, #tpu.memory_space<vmem>> -> memref<32x128xf32, #tpu.memory_space<vmem>>
      %dma_wait3A_637 = arith.constant 0 : i32
      %dma_wait3A_638 = tpu.memref_slice %arg3[%dma_wait3A_637, %multiple_of3A_357] : memref<32x1000000xf32, #tpu.memory_space<hbm>> -> memref<32x128xf32, #tpu.memory_space<hbm>>
      tpu.wait_dma2 semaphore(%arg8 : memref<!tpu.dma_semaphore, #tpu.memory_space<semaphore_mem>>) src(%dma_wait3A_638 : memref<32x128xf32, #tpu.memory_space<hbm>>) dst(%dma_wait3A_636 : memref<32x128xf32, #tpu.memory_space<vmem>>)
      %dma_wait3A_639 = arith.constant 12 : i32
      %dma_wait3A_640 = arith.constant 0 : i32
      %dma_wait3A_641 = arith.constant 0 : i32
      %dma_wait3A_642 = tpu.memref_slice %arg6[%dma_wait3A_639, %dma_wait3A_640, %dma_wait3A_641] : memref<16x32x128xf32, #tpu.memory_space<vmem>> -> memref<1x32x128xf32, #tpu.memory_space<vmem>>
      %dma_wait3A_643 = tpu.memref_squeeze %dma_wait3A_642 : memref<1x32x128xf32, #tpu.memory_space<vmem>> -> memref<32x128xf32, #tpu.memory_space<vmem>>
      %dma_wait3A_644 = arith.constant 0 : i32
      %dma_wait3A_645 = tpu.memref_slice %arg3[%dma_wait3A_644, %multiple_of3A_385] : memref<32x1000000xf32, #tpu.memory_space<hbm>> -> memref<32x128xf32, #tpu.memory_space<hbm>>
      %dma_wait3A_646 = arith.constant 0 : i32
      %dma_wait3A_647 = arith.constant 0 : i32
      %dma_wait3A_648 = tpu.memref_slice %arg6[%dma_wait3A_639, %dma_wait3A_646, %dma_wait3A_647] : memref<16x32x128xf32, #tpu.memory_space<vmem>> -> memref<1x32x128xf32, #tpu.memory_space<vmem>>
      %dma_wait3A_649 = tpu.memref_squeeze %dma_wait3A_648 : memref<1x32x128xf32, #tpu.memory_space<vmem>> -> memref<32x128xf32, #tpu.memory_space<vmem>>
      %dma_wait3A_650 = arith.constant 0 : i32
      %dma_wait3A_651 = tpu.memref_slice %arg3[%dma_wait3A_650, %multiple_of3A_385] : memref<32x1000000xf32, #tpu.memory_space<hbm>> -> memref<32x128xf32, #tpu.memory_space<hbm>>
      tpu.wait_dma2 semaphore(%arg8 : memref<!tpu.dma_semaphore, #tpu.memory_space<semaphore_mem>>) src(%dma_wait3A_651 : memref<32x128xf32, #tpu.memory_space<hbm>>) dst(%dma_wait3A_649 : memref<32x128xf32, #tpu.memory_space<vmem>>)
      %dma_wait3A_652 = arith.constant 13 : i32
      %dma_wait3A_653 = arith.constant 0 : i32
      %dma_wait3A_654 = arith.constant 0 : i32
      %dma_wait3A_655 = tpu.memref_slice %arg6[%dma_wait3A_652, %dma_wait3A_653, %dma_wait3A_654] : memref<16x32x128xf32, #tpu.memory_space<vmem>> -> memref<1x32x128xf32, #tpu.memory_space<vmem>>
      %dma_wait3A_656 = tpu.memref_squeeze %dma_wait3A_655 : memref<1x32x128xf32, #tpu.memory_space<vmem>> -> memref<32x128xf32, #tpu.memory_space<vmem>>
      %dma_wait3A_657 = arith.constant 0 : i32
      %dma_wait3A_658 = tpu.memref_slice %arg3[%dma_wait3A_657, %multiple_of3A_413] : memref<32x1000000xf32, #tpu.memory_space<hbm>> -> memref<32x128xf32, #tpu.memory_space<hbm>>
      %dma_wait3A_659 = arith.constant 0 : i32
      %dma_wait3A_660 = arith.constant 0 : i32
      %dma_wait3A_661 = tpu.memref_slice %arg6[%dma_wait3A_652, %dma_wait3A_659, %dma_wait3A_660] : memref<16x32x128xf32, #tpu.memory_space<vmem>> -> memref<1x32x128xf32, #tpu.memory_space<vmem>>
      %dma_wait3A_662 = tpu.memref_squeeze %dma_wait3A_661 : memref<1x32x128xf32, #tpu.memory_space<vmem>> -> memref<32x128xf32, #tpu.memory_space<vmem>>
      %dma_wait3A_663 = arith.constant 0 : i32
      %dma_wait3A_664 = tpu.memref_slice %arg3[%dma_wait3A_663, %multiple_of3A_413] : memref<32x1000000xf32, #tpu.memory_space<hbm>> -> memref<32x128xf32, #tpu.memory_space<hbm>>
      tpu.wait_dma2 semaphore(%arg8 : memref<!tpu.dma_semaphore, #tpu.memory_space<semaphore_mem>>) src(%dma_wait3A_664 : memref<32x128xf32, #tpu.memory_space<hbm>>) dst(%dma_wait3A_662 : memref<32x128xf32, #tpu.memory_space<vmem>>)
      %dma_wait3A_665 = arith.constant 14 : i32
      %dma_wait3A_666 = arith.constant 0 : i32
      %dma_wait3A_667 = arith.constant 0 : i32
      %dma_wait3A_668 = tpu.memref_slice %arg6[%dma_wait3A_665, %dma_wait3A_666, %dma_wait3A_667] : memref<16x32x128xf32, #tpu.memory_space<vmem>> -> memref<1x32x128xf32, #tpu.memory_space<vmem>>
      %dma_wait3A_669 = tpu.memref_squeeze %dma_wait3A_668 : memref<1x32x128xf32, #tpu.memory_space<vmem>> -> memref<32x128xf32, #tpu.memory_space<vmem>>
      %dma_wait3A_670 = arith.constant 0 : i32
      %dma_wait3A_671 = tpu.memref_slice %arg3[%dma_wait3A_670, %multiple_of3A_441] : memref<32x1000000xf32, #tpu.memory_space<hbm>> -> memref<32x128xf32, #tpu.memory_space<hbm>>
      %dma_wait3A_672 = arith.constant 0 : i32
      %dma_wait3A_673 = arith.constant 0 : i32
      %dma_wait3A_674 = tpu.memref_slice %arg6[%dma_wait3A_665, %dma_wait3A_672, %dma_wait3A_673] : memref<16x32x128xf32, #tpu.memory_space<vmem>> -> memref<1x32x128xf32, #tpu.memory_space<vmem>>
      %dma_wait3A_675 = tpu.memref_squeeze %dma_wait3A_674 : memref<1x32x128xf32, #tpu.memory_space<vmem>> -> memref<32x128xf32, #tpu.memory_space<vmem>>
      %dma_wait3A_676 = arith.constant 0 : i32
      %dma_wait3A_677 = tpu.memref_slice %arg3[%dma_wait3A_676, %multiple_of3A_441] : memref<32x1000000xf32, #tpu.memory_space<hbm>> -> memref<32x128xf32, #tpu.memory_space<hbm>>
      tpu.wait_dma2 semaphore(%arg8 : memref<!tpu.dma_semaphore, #tpu.memory_space<semaphore_mem>>) src(%dma_wait3A_677 : memref<32x128xf32, #tpu.memory_space<hbm>>) dst(%dma_wait3A_675 : memref<32x128xf32, #tpu.memory_space<vmem>>)
      %dma_wait3A_678 = arith.constant 15 : i32
      %dma_wait3A_679 = arith.constant 0 : i32
      %dma_wait3A_680 = arith.constant 0 : i32
      %dma_wait3A_681 = tpu.memref_slice %arg6[%dma_wait3A_678, %dma_wait3A_679, %dma_wait3A_680] : memref<16x32x128xf32, #tpu.memory_space<vmem>> -> memref<1x32x128xf32, #tpu.memory_space<vmem>>
      %dma_wait3A_682 = tpu.memref_squeeze %dma_wait3A_681 : memref<1x32x128xf32, #tpu.memory_space<vmem>> -> memref<32x128xf32, #tpu.memory_space<vmem>>
      %dma_wait3A_683 = arith.constant 0 : i32
      %dma_wait3A_684 = tpu.memref_slice %arg3[%dma_wait3A_683, %multiple_of3A_469] : memref<32x1000000xf32, #tpu.memory_space<hbm>> -> memref<32x128xf32, #tpu.memory_space<hbm>>
      %dma_wait3A_685 = arith.constant 0 : i32
      %dma_wait3A_686 = arith.constant 0 : i32
      %dma_wait3A_687 = tpu.memref_slice %arg6[%dma_wait3A_678, %dma_wait3A_685, %dma_wait3A_686] : memref<16x32x128xf32, #tpu.memory_space<vmem>> -> memref<1x32x128xf32, #tpu.memory_space<vmem>>
      %dma_wait3A_688 = tpu.memref_squeeze %dma_wait3A_687 : memref<1x32x128xf32, #tpu.memory_space<vmem>> -> memref<32x128xf32, #tpu.memory_space<vmem>>
      %dma_wait3A_689 = arith.constant 0 : i32
      %dma_wait3A_690 = tpu.memref_slice %arg3[%dma_wait3A_689, %multiple_of3A_469] : memref<32x1000000xf32, #tpu.memory_space<hbm>> -> memref<32x128xf32, #tpu.memory_space<hbm>>
      tpu.wait_dma2 semaphore(%arg8 : memref<!tpu.dma_semaphore, #tpu.memory_space<semaphore_mem>>) src(%dma_wait3A_690 : memref<32x128xf32, #tpu.memory_space<hbm>>) dst(%dma_wait3A_688 : memref<32x128xf32, #tpu.memory_space<vmem>>)
      %ge3A = arith.constant 2 : i32
      %ge3A_691 = arith.cmpi sge, %scan3A_34, %ge3A : i32
      %convert_element_type3A = arith.extui %ge3A_691 : i1 to i32
      %cond3A = arith.constant 0 : i32
      %cond3A_692 = arith.cmpi ne, %convert_element_type3A, %cond3A : i32
      scf.if %cond3A_692 {
        %dma_wait3A_1267 = arith.constant 0 : i32
        %dma_wait3A_1268 = arith.constant 0 : i32
        %dma_wait3A_1269 = tpu.memref_slice %arg7[%rem3A_36, %dma_wait3A_1267, %dma_wait3A_1268] : memref<2x16x32xf32, #tpu.memory_space<vmem>> -> memref<1x16x32xf32, #tpu.memory_space<vmem>>
        %dma_wait3A_1270 = tpu.memref_squeeze %dma_wait3A_1269 : memref<1x16x32xf32, #tpu.memory_space<vmem>> -> memref<16x32xf32, #tpu.memory_space<vmem>>
        %dma_wait3A_1271 = arith.constant 0 : i32
        %dma_wait3A_1272 = tpu.memref_slice %arg4[%mul3A_2, %dma_wait3A_1271] : memref<20480x32xf32, #tpu.memory_space<hbm>> -> memref<16x32xf32, #tpu.memory_space<hbm>>
        %dma_wait3A_1273 = arith.constant 0 : i32
        %dma_wait3A_1274 = tpu.memref_slice %arg4[%mul3A_2, %dma_wait3A_1273] : memref<20480x32xf32, #tpu.memory_space<hbm>> -> memref<16x32xf32, #tpu.memory_space<hbm>>
        %dma_wait3A_1275 = arith.constant 0 : i32
        %dma_wait3A_1276 = arith.constant 0 : i32
        %dma_wait3A_1277 = tpu.memref_slice %arg7[%rem3A_36, %dma_wait3A_1275, %dma_wait3A_1276] : memref<2x16x32xf32, #tpu.memory_space<vmem>> -> memref<1x16x32xf32, #tpu.memory_space<vmem>>
        %dma_wait3A_1278 = tpu.memref_squeeze %dma_wait3A_1277 : memref<1x16x32xf32, #tpu.memory_space<vmem>> -> memref<16x32xf32, #tpu.memory_space<vmem>>
        tpu.wait_dma2 semaphore(%arg9 : memref<!tpu.dma_semaphore, #tpu.memory_space<semaphore_mem>>) src(%dma_wait3A_1278 : memref<16x32xf32, #tpu.memory_space<vmem>>) dst(%dma_wait3A_1274 : memref<16x32xf32, #tpu.memory_space<hbm>>)
      } else {
      }
      %eq3A_693 = arith.constant 0 : i32
      %eq3A_694 = vector.broadcast %eq3A_693 : i32 to vector<16xi32>
      %eq3A_695 = arith.cmpi eq, %iota3A, %eq3A_694 : vector<16xi32>
      %jit3A_696 = arith.constant 0 : i32
      %broadcast_in_dim3A_697 = vector.broadcast %jit3A_696 : i32 to vector<16xi32>
      %select_n3A_698 = arith.select %eq3A_695, %rem3A_41, %broadcast_in_dim3A_697 : vector<16xi1>, vector<16xi32>
      %reduce_max3A_699 = arith.constant true
      %reduce_max3A_700 = vector.broadcast %reduce_max3A_699 : i1 to vector<16xi1>
      %reduce_max3A_701 = arith.constant -2147483648 : i32
      %reduce_max3A_702 = vector.broadcast %reduce_max3A_701 : i32 to vector<16xi32>
      %reduce_max3A_703 = arith.xori %select_n3A_698, %reduce_max3A_702 : vector<16xi32>
      %reduce_max3A_704 = tpu.scan <max>, %reduce_max3A_703 masked %reduce_max3A_700 : vector<16xi32>, vector<16xi1> -> vector<16xi32>
      %reduce_max3A_705 = arith.xori %reduce_max3A_704, %reduce_max3A_702 : vector<16xi32>
      %reduce_max3A_706 = vector.extract %reduce_max3A_705[15] : i32 from vector<16xi32>
      %broadcast_in_dim3A_707 = vector.broadcast %reduce_max3A_706 : i32 to vector<16xi32>
      %broadcast_in_dim3A_708 = arith.constant 0 : i32
      %broadcast_in_dim3A_709 = vector.broadcast %broadcast_in_dim3A_708 : i32 to vector<16xi32>
      %add3A_710 = arith.constant 0 : i32
      %add3A_711 = vector.broadcast %add3A_710 : i32 to vector<16xi32>
      %add3A_712 = arith.addi %iota3A, %add3A_711 : vector<16xi32>
      %gather3A = tpu.vector_load_idx %arg6[%broadcast_in_dim3A_709, %add3A_712, %broadcast_in_dim3A_707] : memref<16x32x128xf32, #tpu.memory_space<vmem>>[vector<16xi32>, vector<16xi32>, vector<16xi32>], vector<16xf32>,
      %swap3A = arith.constant 0 : i32
      %swap3A_713 = arith.index_cast %rem3A_36 : i32 to index
      %swap3A_714 = arith.index_cast %swap3A : i32 to index
      %swap3A_715 = arith.constant 0 : index
      %swap3A_716 = tpu.vector_load %arg7[%swap3A_713, %swap3A_714, %swap3A_715] {strides = array<i32>} : memref<2x16x32xf32, #tpu.memory_space<vmem>>, vector<16xf32>,
      tpu.vector_store %arg7[%swap3A_713, %swap3A_714, %swap3A_715], %gather3A {strides = array<i32>} : memref<2x16x32xf32, #tpu.memory_space<vmem>>, vector<16xf32>,
      %add3A_717 = arith.constant 16 : i32
      %add3A_718 = vector.broadcast %add3A_717 : i32 to vector<16xi32>
      %add3A_719 = arith.addi %iota3A, %add3A_718 : vector<16xi32>
      %gather3A_720 = tpu.vector_load_idx %arg6[%broadcast_in_dim3A_709, %add3A_719, %broadcast_in_dim3A_707] : memref<16x32x128xf32, #tpu.memory_space<vmem>>[vector<16xi32>, vector<16xi32>, vector<16xi32>], vector<16xf32>,
      %swap3A_721 = arith.constant 0 : i32
      %swap3A_722 = arith.index_cast %rem3A_36 : i32 to index
      %swap3A_723 = arith.index_cast %swap3A_721 : i32 to index
      %swap3A_724 = arith.constant 16 : index
      %swap3A_725 = tpu.vector_load %arg7[%swap3A_722, %swap3A_723, %swap3A_724] {strides = array<i32>} : memref<2x16x32xf32, #tpu.memory_space<vmem>>, vector<16xf32>,
      tpu.vector_store %arg7[%swap3A_722, %swap3A_723, %swap3A_724], %gather3A_720 {strides = array<i32>} : memref<2x16x32xf32, #tpu.memory_space<vmem>>, vector<16xf32>,
      %eq3A_726 = arith.constant 1 : i32
      %eq3A_727 = vector.broadcast %eq3A_726 : i32 to vector<16xi32>
      %eq3A_728 = arith.cmpi eq, %iota3A, %eq3A_727 : vector<16xi32>
      %jit3A_729 = arith.constant 0 : i32
      %broadcast_in_dim3A_730 = vector.broadcast %jit3A_729 : i32 to vector<16xi32>
      %select_n3A_731 = arith.select %eq3A_728, %rem3A_41, %broadcast_in_dim3A_730 : vector<16xi1>, vector<16xi32>
      %reduce_max3A_732 = arith.constant true
      %reduce_max3A_733 = vector.broadcast %reduce_max3A_732 : i1 to vector<16xi1>
      %reduce_max3A_734 = arith.constant -2147483648 : i32
      %reduce_max3A_735 = vector.broadcast %reduce_max3A_734 : i32 to vector<16xi32>
      %reduce_max3A_736 = arith.xori %select_n3A_731, %reduce_max3A_735 : vector<16xi32>
      %reduce_max3A_737 = tpu.scan <max>, %reduce_max3A_736 masked %reduce_max3A_733 : vector<16xi32>, vector<16xi1> -> vector<16xi32>
      %reduce_max3A_738 = arith.xori %reduce_max3A_737, %reduce_max3A_735 : vector<16xi32>
      %reduce_max3A_739 = vector.extract %reduce_max3A_738[15] : i32 from vector<16xi32>
      %broadcast_in_dim3A_740 = vector.broadcast %reduce_max3A_739 : i32 to vector<16xi32>
      %broadcast_in_dim3A_741 = arith.constant 1 : i32
      %broadcast_in_dim3A_742 = vector.broadcast %broadcast_in_dim3A_741 : i32 to vector<16xi32>
      %add3A_743 = arith.constant 0 : i32
      %add3A_744 = vector.broadcast %add3A_743 : i32 to vector<16xi32>
      %add3A_745 = arith.addi %iota3A, %add3A_744 : vector<16xi32>
      %gather3A_746 = tpu.vector_load_idx %arg6[%broadcast_in_dim3A_742, %add3A_745, %broadcast_in_dim3A_740] : memref<16x32x128xf32, #tpu.memory_space<vmem>>[vector<16xi32>, vector<16xi32>, vector<16xi32>], vector<16xf32>,
      %swap3A_747 = arith.constant 1 : i32
      %swap3A_748 = arith.index_cast %rem3A_36 : i32 to index
      %swap3A_749 = arith.index_cast %swap3A_747 : i32 to index
      %swap3A_750 = arith.constant 0 : index
      %swap3A_751 = tpu.vector_load %arg7[%swap3A_748, %swap3A_749, %swap3A_750] {strides = array<i32>} : memref<2x16x32xf32, #tpu.memory_space<vmem>>, vector<16xf32>,
      tpu.vector_store %arg7[%swap3A_748, %swap3A_749, %swap3A_750], %gather3A_746 {strides = array<i32>} : memref<2x16x32xf32, #tpu.memory_space<vmem>>, vector<16xf32>,
      %add3A_752 = arith.constant 16 : i32
      %add3A_753 = vector.broadcast %add3A_752 : i32 to vector<16xi32>
      %add3A_754 = arith.addi %iota3A, %add3A_753 : vector<16xi32>
      %gather3A_755 = tpu.vector_load_idx %arg6[%broadcast_in_dim3A_742, %add3A_754, %broadcast_in_dim3A_740] : memref<16x32x128xf32, #tpu.memory_space<vmem>>[vector<16xi32>, vector<16xi32>, vector<16xi32>], vector<16xf32>,
      %swap3A_756 = arith.constant 1 : i32
      %swap3A_757 = arith.index_cast %rem3A_36 : i32 to index
      %swap3A_758 = arith.index_cast %swap3A_756 : i32 to index
      %swap3A_759 = arith.constant 16 : index
      %swap3A_760 = tpu.vector_load %arg7[%swap3A_757, %swap3A_758, %swap3A_759] {strides = array<i32>} : memref<2x16x32xf32, #tpu.memory_space<vmem>>, vector<16xf32>,
      tpu.vector_store %arg7[%swap3A_757, %swap3A_758, %swap3A_759], %gather3A_755 {strides = array<i32>} : memref<2x16x32xf32, #tpu.memory_space<vmem>>, vector<16xf32>,
      %eq3A_761 = arith.constant 2 : i32
      %eq3A_762 = vector.broadcast %eq3A_761 : i32 to vector<16xi32>
      %eq3A_763 = arith.cmpi eq, %iota3A, %eq3A_762 : vector<16xi32>
      %jit3A_764 = arith.constant 0 : i32
      %broadcast_in_dim3A_765 = vector.broadcast %jit3A_764 : i32 to vector<16xi32>
      %select_n3A_766 = arith.select %eq3A_763, %rem3A_41, %broadcast_in_dim3A_765 : vector<16xi1>, vector<16xi32>
      %reduce_max3A_767 = arith.constant true
      %reduce_max3A_768 = vector.broadcast %reduce_max3A_767 : i1 to vector<16xi1>
      %reduce_max3A_769 = arith.constant -2147483648 : i32
      %reduce_max3A_770 = vector.broadcast %reduce_max3A_769 : i32 to vector<16xi32>
      %reduce_max3A_771 = arith.xori %select_n3A_766, %reduce_max3A_770 : vector<16xi32>
      %reduce_max3A_772 = tpu.scan <max>, %reduce_max3A_771 masked %reduce_max3A_768 : vector<16xi32>, vector<16xi1> -> vector<16xi32>
      %reduce_max3A_773 = arith.xori %reduce_max3A_772, %reduce_max3A_770 : vector<16xi32>
      %reduce_max3A_774 = vector.extract %reduce_max3A_773[15] : i32 from vector<16xi32>
      %broadcast_in_dim3A_775 = vector.broadcast %reduce_max3A_774 : i32 to vector<16xi32>
      %broadcast_in_dim3A_776 = arith.constant 2 : i32
      %broadcast_in_dim3A_777 = vector.broadcast %broadcast_in_dim3A_776 : i32 to vector<16xi32>
      %add3A_778 = arith.constant 0 : i32
      %add3A_779 = vector.broadcast %add3A_778 : i32 to vector<16xi32>
      %add3A_780 = arith.addi %iota3A, %add3A_779 : vector<16xi32>
      %gather3A_781 = tpu.vector_load_idx %arg6[%broadcast_in_dim3A_777, %add3A_780, %broadcast_in_dim3A_775] : memref<16x32x128xf32, #tpu.memory_space<vmem>>[vector<16xi32>, vector<16xi32>, vector<16xi32>], vector<16xf32>,
      %swap3A_782 = arith.constant 2 : i32
      %swap3A_783 = arith.index_cast %rem3A_36 : i32 to index
      %swap3A_784 = arith.index_cast %swap3A_782 : i32 to index
      %swap3A_785 = arith.constant 0 : index
      %swap3A_786 = tpu.vector_load %arg7[%swap3A_783, %swap3A_784, %swap3A_785] {strides = array<i32>} : memref<2x16x32xf32, #tpu.memory_space<vmem>>, vector<16xf32>,
      tpu.vector_store %arg7[%swap3A_783, %swap3A_784, %swap3A_785], %gather3A_781 {strides = array<i32>} : memref<2x16x32xf32, #tpu.memory_space<vmem>>, vector<16xf32>,
      %add3A_787 = arith.constant 16 : i32
      %add3A_788 = vector.broadcast %add3A_787 : i32 to vector<16xi32>
      %add3A_789 = arith.addi %iota3A, %add3A_788 : vector<16xi32>
      %gather3A_790 = tpu.vector_load_idx %arg6[%broadcast_in_dim3A_777, %add3A_789, %broadcast_in_dim3A_775] : memref<16x32x128xf32, #tpu.memory_space<vmem>>[vector<16xi32>, vector<16xi32>, vector<16xi32>], vector<16xf32>,
      %swap3A_791 = arith.constant 2 : i32
      %swap3A_792 = arith.index_cast %rem3A_36 : i32 to index
      %swap3A_793 = arith.index_cast %swap3A_791 : i32 to index
      %swap3A_794 = arith.constant 16 : index
      %swap3A_795 = tpu.vector_load %arg7[%swap3A_792, %swap3A_793, %swap3A_794] {strides = array<i32>} : memref<2x16x32xf32, #tpu.memory_space<vmem>>, vector<16xf32>,
      tpu.vector_store %arg7[%swap3A_792, %swap3A_793, %swap3A_794], %gather3A_790 {strides = array<i32>} : memref<2x16x32xf32, #tpu.memory_space<vmem>>, vector<16xf32>,
      %eq3A_796 = arith.constant 3 : i32
      %eq3A_797 = vector.broadcast %eq3A_796 : i32 to vector<16xi32>
      %eq3A_798 = arith.cmpi eq, %iota3A, %eq3A_797 : vector<16xi32>
      %jit3A_799 = arith.constant 0 : i32
      %broadcast_in_dim3A_800 = vector.broadcast %jit3A_799 : i32 to vector<16xi32>
      %select_n3A_801 = arith.select %eq3A_798, %rem3A_41, %broadcast_in_dim3A_800 : vector<16xi1>, vector<16xi32>
      %reduce_max3A_802 = arith.constant true
      %reduce_max3A_803 = vector.broadcast %reduce_max3A_802 : i1 to vector<16xi1>
      %reduce_max3A_804 = arith.constant -2147483648 : i32
      %reduce_max3A_805 = vector.broadcast %reduce_max3A_804 : i32 to vector<16xi32>
      %reduce_max3A_806 = arith.xori %select_n3A_801, %reduce_max3A_805 : vector<16xi32>
      %reduce_max3A_807 = tpu.scan <max>, %reduce_max3A_806 masked %reduce_max3A_803 : vector<16xi32>, vector<16xi1> -> vector<16xi32>
      %reduce_max3A_808 = arith.xori %reduce_max3A_807, %reduce_max3A_805 : vector<16xi32>
      %reduce_max3A_809 = vector.extract %reduce_max3A_808[15] : i32 from vector<16xi32>
      %broadcast_in_dim3A_810 = vector.broadcast %reduce_max3A_809 : i32 to vector<16xi32>
      %broadcast_in_dim3A_811 = arith.constant 3 : i32
      %broadcast_in_dim3A_812 = vector.broadcast %broadcast_in_dim3A_811 : i32 to vector<16xi32>
      %add3A_813 = arith.constant 0 : i32
      %add3A_814 = vector.broadcast %add3A_813 : i32 to vector<16xi32>
      %add3A_815 = arith.addi %iota3A, %add3A_814 : vector<16xi32>
      %gather3A_816 = tpu.vector_load_idx %arg6[%broadcast_in_dim3A_812, %add3A_815, %broadcast_in_dim3A_810] : memref<16x32x128xf32, #tpu.memory_space<vmem>>[vector<16xi32>, vector<16xi32>, vector<16xi32>], vector<16xf32>,
      %swap3A_817 = arith.constant 3 : i32
      %swap3A_818 = arith.index_cast %rem3A_36 : i32 to index
      %swap3A_819 = arith.index_cast %swap3A_817 : i32 to index
      %swap3A_820 = arith.constant 0 : index
      %swap3A_821 = tpu.vector_load %arg7[%swap3A_818, %swap3A_819, %swap3A_820] {strides = array<i32>} : memref<2x16x32xf32, #tpu.memory_space<vmem>>, vector<16xf32>,
      tpu.vector_store %arg7[%swap3A_818, %swap3A_819, %swap3A_820], %gather3A_816 {strides = array<i32>} : memref<2x16x32xf32, #tpu.memory_space<vmem>>, vector<16xf32>,
      %add3A_822 = arith.constant 16 : i32
      %add3A_823 = vector.broadcast %add3A_822 : i32 to vector<16xi32>
      %add3A_824 = arith.addi %iota3A, %add3A_823 : vector<16xi32>
      %gather3A_825 = tpu.vector_load_idx %arg6[%broadcast_in_dim3A_812, %add3A_824, %broadcast_in_dim3A_810] : memref<16x32x128xf32, #tpu.memory_space<vmem>>[vector<16xi32>, vector<16xi32>, vector<16xi32>], vector<16xf32>,
      %swap3A_826 = arith.constant 3 : i32
      %swap3A_827 = arith.index_cast %rem3A_36 : i32 to index
      %swap3A_828 = arith.index_cast %swap3A_826 : i32 to index
      %swap3A_829 = arith.constant 16 : index
      %swap3A_830 = tpu.vector_load %arg7[%swap3A_827, %swap3A_828, %swap3A_829] {strides = array<i32>} : memref<2x16x32xf32, #tpu.memory_space<vmem>>, vector<16xf32>,
      tpu.vector_store %arg7[%swap3A_827, %swap3A_828, %swap3A_829], %gather3A_825 {strides = array<i32>} : memref<2x16x32xf32, #tpu.memory_space<vmem>>, vector<16xf32>,
      %eq3A_831 = arith.constant 4 : i32
      %eq3A_832 = vector.broadcast %eq3A_831 : i32 to vector<16xi32>
      %eq3A_833 = arith.cmpi eq, %iota3A, %eq3A_832 : vector<16xi32>
      %jit3A_834 = arith.constant 0 : i32
      %broadcast_in_dim3A_835 = vector.broadcast %jit3A_834 : i32 to vector<16xi32>
      %select_n3A_836 = arith.select %eq3A_833, %rem3A_41, %broadcast_in_dim3A_835 : vector<16xi1>, vector<16xi32>
      %reduce_max3A_837 = arith.constant true
      %reduce_max3A_838 = vector.broadcast %reduce_max3A_837 : i1 to vector<16xi1>
      %reduce_max3A_839 = arith.constant -2147483648 : i32
      %reduce_max3A_840 = vector.broadcast %reduce_max3A_839 : i32 to vector<16xi32>
      %reduce_max3A_841 = arith.xori %select_n3A_836, %reduce_max3A_840 : vector<16xi32>
      %reduce_max3A_842 = tpu.scan <max>, %reduce_max3A_841 masked %reduce_max3A_838 : vector<16xi32>, vector<16xi1> -> vector<16xi32>
      %reduce_max3A_843 = arith.xori %reduce_max3A_842, %reduce_max3A_840 : vector<16xi32>
      %reduce_max3A_844 = vector.extract %reduce_max3A_843[15] : i32 from vector<16xi32>
      %broadcast_in_dim3A_845 = vector.broadcast %reduce_max3A_844 : i32 to vector<16xi32>
      %broadcast_in_dim3A_846 = arith.constant 4 : i32
      %broadcast_in_dim3A_847 = vector.broadcast %broadcast_in_dim3A_846 : i32 to vector<16xi32>
      %add3A_848 = arith.constant 0 : i32
      %add3A_849 = vector.broadcast %add3A_848 : i32 to vector<16xi32>
      %add3A_850 = arith.addi %iota3A, %add3A_849 : vector<16xi32>
      %gather3A_851 = tpu.vector_load_idx %arg6[%broadcast_in_dim3A_847, %add3A_850, %broadcast_in_dim3A_845] : memref<16x32x128xf32, #tpu.memory_space<vmem>>[vector<16xi32>, vector<16xi32>, vector<16xi32>], vector<16xf32>,
      %swap3A_852 = arith.constant 4 : i32
      %swap3A_853 = arith.index_cast %rem3A_36 : i32 to index
      %swap3A_854 = arith.index_cast %swap3A_852 : i32 to index
      %swap3A_855 = arith.constant 0 : index
      %swap3A_856 = tpu.vector_load %arg7[%swap3A_853, %swap3A_854, %swap3A_855] {strides = array<i32>} : memref<2x16x32xf32, #tpu.memory_space<vmem>>, vector<16xf32>,
      tpu.vector_store %arg7[%swap3A_853, %swap3A_854, %swap3A_855], %gather3A_851 {strides = array<i32>} : memref<2x16x32xf32, #tpu.memory_space<vmem>>, vector<16xf32>,
      %add3A_857 = arith.constant 16 : i32
      %add3A_858 = vector.broadcast %add3A_857 : i32 to vector<16xi32>
      %add3A_859 = arith.addi %iota3A, %add3A_858 : vector<16xi32>
      %gather3A_860 = tpu.vector_load_idx %arg6[%broadcast_in_dim3A_847, %add3A_859, %broadcast_in_dim3A_845] : memref<16x32x128xf32, #tpu.memory_space<vmem>>[vector<16xi32>, vector<16xi32>, vector<16xi32>], vector<16xf32>,
      %swap3A_861 = arith.constant 4 : i32
      %swap3A_862 = arith.index_cast %rem3A_36 : i32 to index
      %swap3A_863 = arith.index_cast %swap3A_861 : i32 to index
      %swap3A_864 = arith.constant 16 : index
      %swap3A_865 = tpu.vector_load %arg7[%swap3A_862, %swap3A_863, %swap3A_864] {strides = array<i32>} : memref<2x16x32xf32, #tpu.memory_space<vmem>>, vector<16xf32>,
      tpu.vector_store %arg7[%swap3A_862, %swap3A_863, %swap3A_864], %gather3A_860 {strides = array<i32>} : memref<2x16x32xf32, #tpu.memory_space<vmem>>, vector<16xf32>,
      %eq3A_866 = arith.constant 5 : i32
      %eq3A_867 = vector.broadcast %eq3A_866 : i32 to vector<16xi32>
      %eq3A_868 = arith.cmpi eq, %iota3A, %eq3A_867 : vector<16xi32>
      %jit3A_869 = arith.constant 0 : i32
      %broadcast_in_dim3A_870 = vector.broadcast %jit3A_869 : i32 to vector<16xi32>
      %select_n3A_871 = arith.select %eq3A_868, %rem3A_41, %broadcast_in_dim3A_870 : vector<16xi1>, vector<16xi32>
      %reduce_max3A_872 = arith.constant true
      %reduce_max3A_873 = vector.broadcast %reduce_max3A_872 : i1 to vector<16xi1>
      %reduce_max3A_874 = arith.constant -2147483648 : i32
      %reduce_max3A_875 = vector.broadcast %reduce_max3A_874 : i32 to vector<16xi32>
      %reduce_max3A_876 = arith.xori %select_n3A_871, %reduce_max3A_875 : vector<16xi32>
      %reduce_max3A_877 = tpu.scan <max>, %reduce_max3A_876 masked %reduce_max3A_873 : vector<16xi32>, vector<16xi1> -> vector<16xi32>
      %reduce_max3A_878 = arith.xori %reduce_max3A_877, %reduce_max3A_875 : vector<16xi32>
      %reduce_max3A_879 = vector.extract %reduce_max3A_878[15] : i32 from vector<16xi32>
      %broadcast_in_dim3A_880 = vector.broadcast %reduce_max3A_879 : i32 to vector<16xi32>
      %broadcast_in_dim3A_881 = arith.constant 5 : i32
      %broadcast_in_dim3A_882 = vector.broadcast %broadcast_in_dim3A_881 : i32 to vector<16xi32>
      %add3A_883 = arith.constant 0 : i32
      %add3A_884 = vector.broadcast %add3A_883 : i32 to vector<16xi32>
      %add3A_885 = arith.addi %iota3A, %add3A_884 : vector<16xi32>
      %gather3A_886 = tpu.vector_load_idx %arg6[%broadcast_in_dim3A_882, %add3A_885, %broadcast_in_dim3A_880] : memref<16x32x128xf32, #tpu.memory_space<vmem>>[vector<16xi32>, vector<16xi32>, vector<16xi32>], vector<16xf32>,
      %swap3A_887 = arith.constant 5 : i32
      %swap3A_888 = arith.index_cast %rem3A_36 : i32 to index
      %swap3A_889 = arith.index_cast %swap3A_887 : i32 to index
      %swap3A_890 = arith.constant 0 : index
      %swap3A_891 = tpu.vector_load %arg7[%swap3A_888, %swap3A_889, %swap3A_890] {strides = array<i32>} : memref<2x16x32xf32, #tpu.memory_space<vmem>>, vector<16xf32>,
      tpu.vector_store %arg7[%swap3A_888, %swap3A_889, %swap3A_890], %gather3A_886 {strides = array<i32>} : memref<2x16x32xf32, #tpu.memory_space<vmem>>, vector<16xf32>,
      %add3A_892 = arith.constant 16 : i32
      %add3A_893 = vector.broadcast %add3A_892 : i32 to vector<16xi32>
      %add3A_894 = arith.addi %iota3A, %add3A_893 : vector<16xi32>
      %gather3A_895 = tpu.vector_load_idx %arg6[%broadcast_in_dim3A_882, %add3A_894, %broadcast_in_dim3A_880] : memref<16x32x128xf32, #tpu.memory_space<vmem>>[vector<16xi32>, vector<16xi32>, vector<16xi32>], vector<16xf32>,
      %swap3A_896 = arith.constant 5 : i32
      %swap3A_897 = arith.index_cast %rem3A_36 : i32 to index
      %swap3A_898 = arith.index_cast %swap3A_896 : i32 to index
      %swap3A_899 = arith.constant 16 : index
      %swap3A_900 = tpu.vector_load %arg7[%swap3A_897, %swap3A_898, %swap3A_899] {strides = array<i32>} : memref<2x16x32xf32, #tpu.memory_space<vmem>>, vector<16xf32>,
      tpu.vector_store %arg7[%swap3A_897, %swap3A_898, %swap3A_899], %gather3A_895 {strides = array<i32>} : memref<2x16x32xf32, #tpu.memory_space<vmem>>, vector<16xf32>,
      %eq3A_901 = arith.constant 6 : i32
      %eq3A_902 = vector.broadcast %eq3A_901 : i32 to vector<16xi32>
      %eq3A_903 = arith.cmpi eq, %iota3A, %eq3A_902 : vector<16xi32>
      %jit3A_904 = arith.constant 0 : i32
      %broadcast_in_dim3A_905 = vector.broadcast %jit3A_904 : i32 to vector<16xi32>
      %select_n3A_906 = arith.select %eq3A_903, %rem3A_41, %broadcast_in_dim3A_905 : vector<16xi1>, vector<16xi32>
      %reduce_max3A_907 = arith.constant true
      %reduce_max3A_908 = vector.broadcast %reduce_max3A_907 : i1 to vector<16xi1>
      %reduce_max3A_909 = arith.constant -2147483648 : i32
      %reduce_max3A_910 = vector.broadcast %reduce_max3A_909 : i32 to vector<16xi32>
      %reduce_max3A_911 = arith.xori %select_n3A_906, %reduce_max3A_910 : vector<16xi32>
      %reduce_max3A_912 = tpu.scan <max>, %reduce_max3A_911 masked %reduce_max3A_908 : vector<16xi32>, vector<16xi1> -> vector<16xi32>
      %reduce_max3A_913 = arith.xori %reduce_max3A_912, %reduce_max3A_910 : vector<16xi32>
      %reduce_max3A_914 = vector.extract %reduce_max3A_913[15] : i32 from vector<16xi32>
      %broadcast_in_dim3A_915 = vector.broadcast %reduce_max3A_914 : i32 to vector<16xi32>
      %broadcast_in_dim3A_916 = arith.constant 6 : i32
      %broadcast_in_dim3A_917 = vector.broadcast %broadcast_in_dim3A_916 : i32 to vector<16xi32>
      %add3A_918 = arith.constant 0 : i32
      %add3A_919 = vector.broadcast %add3A_918 : i32 to vector<16xi32>
      %add3A_920 = arith.addi %iota3A, %add3A_919 : vector<16xi32>
      %gather3A_921 = tpu.vector_load_idx %arg6[%broadcast_in_dim3A_917, %add3A_920, %broadcast_in_dim3A_915] : memref<16x32x128xf32, #tpu.memory_space<vmem>>[vector<16xi32>, vector<16xi32>, vector<16xi32>], vector<16xf32>,
      %swap3A_922 = arith.constant 6 : i32
      %swap3A_923 = arith.index_cast %rem3A_36 : i32 to index
      %swap3A_924 = arith.index_cast %swap3A_922 : i32 to index
      %swap3A_925 = arith.constant 0 : index
      %swap3A_926 = tpu.vector_load %arg7[%swap3A_923, %swap3A_924, %swap3A_925] {strides = array<i32>} : memref<2x16x32xf32, #tpu.memory_space<vmem>>, vector<16xf32>,
      tpu.vector_store %arg7[%swap3A_923, %swap3A_924, %swap3A_925], %gather3A_921 {strides = array<i32>} : memref<2x16x32xf32, #tpu.memory_space<vmem>>, vector<16xf32>,
      %add3A_927 = arith.constant 16 : i32
      %add3A_928 = vector.broadcast %add3A_927 : i32 to vector<16xi32>
      %add3A_929 = arith.addi %iota3A, %add3A_928 : vector<16xi32>
      %gather3A_930 = tpu.vector_load_idx %arg6[%broadcast_in_dim3A_917, %add3A_929, %broadcast_in_dim3A_915] : memref<16x32x128xf32, #tpu.memory_space<vmem>>[vector<16xi32>, vector<16xi32>, vector<16xi32>], vector<16xf32>,
      %swap3A_931 = arith.constant 6 : i32
      %swap3A_932 = arith.index_cast %rem3A_36 : i32 to index
      %swap3A_933 = arith.index_cast %swap3A_931 : i32 to index
      %swap3A_934 = arith.constant 16 : index
      %swap3A_935 = tpu.vector_load %arg7[%swap3A_932, %swap3A_933, %swap3A_934] {strides = array<i32>} : memref<2x16x32xf32, #tpu.memory_space<vmem>>, vector<16xf32>,
      tpu.vector_store %arg7[%swap3A_932, %swap3A_933, %swap3A_934], %gather3A_930 {strides = array<i32>} : memref<2x16x32xf32, #tpu.memory_space<vmem>>, vector<16xf32>,
      %eq3A_936 = arith.constant 7 : i32
      %eq3A_937 = vector.broadcast %eq3A_936 : i32 to vector<16xi32>
      %eq3A_938 = arith.cmpi eq, %iota3A, %eq3A_937 : vector<16xi32>
      %jit3A_939 = arith.constant 0 : i32
      %broadcast_in_dim3A_940 = vector.broadcast %jit3A_939 : i32 to vector<16xi32>
      %select_n3A_941 = arith.select %eq3A_938, %rem3A_41, %broadcast_in_dim3A_940 : vector<16xi1>, vector<16xi32>
      %reduce_max3A_942 = arith.constant true
      %reduce_max3A_943 = vector.broadcast %reduce_max3A_942 : i1 to vector<16xi1>
      %reduce_max3A_944 = arith.constant -2147483648 : i32
      %reduce_max3A_945 = vector.broadcast %reduce_max3A_944 : i32 to vector<16xi32>
      %reduce_max3A_946 = arith.xori %select_n3A_941, %reduce_max3A_945 : vector<16xi32>
      %reduce_max3A_947 = tpu.scan <max>, %reduce_max3A_946 masked %reduce_max3A_943 : vector<16xi32>, vector<16xi1> -> vector<16xi32>
      %reduce_max3A_948 = arith.xori %reduce_max3A_947, %reduce_max3A_945 : vector<16xi32>
      %reduce_max3A_949 = vector.extract %reduce_max3A_948[15] : i32 from vector<16xi32>
      %broadcast_in_dim3A_950 = vector.broadcast %reduce_max3A_949 : i32 to vector<16xi32>
      %broadcast_in_dim3A_951 = arith.constant 7 : i32
      %broadcast_in_dim3A_952 = vector.broadcast %broadcast_in_dim3A_951 : i32 to vector<16xi32>
      %add3A_953 = arith.constant 0 : i32
      %add3A_954 = vector.broadcast %add3A_953 : i32 to vector<16xi32>
      %add3A_955 = arith.addi %iota3A, %add3A_954 : vector<16xi32>
      %gather3A_956 = tpu.vector_load_idx %arg6[%broadcast_in_dim3A_952, %add3A_955, %broadcast_in_dim3A_950] : memref<16x32x128xf32, #tpu.memory_space<vmem>>[vector<16xi32>, vector<16xi32>, vector<16xi32>], vector<16xf32>,
      %swap3A_957 = arith.constant 7 : i32
      %swap3A_958 = arith.index_cast %rem3A_36 : i32 to index
      %swap3A_959 = arith.index_cast %swap3A_957 : i32 to index
      %swap3A_960 = arith.constant 0 : index
      %swap3A_961 = tpu.vector_load %arg7[%swap3A_958, %swap3A_959, %swap3A_960] {strides = array<i32>} : memref<2x16x32xf32, #tpu.memory_space<vmem>>, vector<16xf32>,
      tpu.vector_store %arg7[%swap3A_958, %swap3A_959, %swap3A_960], %gather3A_956 {strides = array<i32>} : memref<2x16x32xf32, #tpu.memory_space<vmem>>, vector<16xf32>,
      %add3A_962 = arith.constant 16 : i32
      %add3A_963 = vector.broadcast %add3A_962 : i32 to vector<16xi32>
      %add3A_964 = arith.addi %iota3A, %add3A_963 : vector<16xi32>
      %gather3A_965 = tpu.vector_load_idx %arg6[%broadcast_in_dim3A_952, %add3A_964, %broadcast_in_dim3A_950] : memref<16x32x128xf32, #tpu.memory_space<vmem>>[vector<16xi32>, vector<16xi32>, vector<16xi32>], vector<16xf32>,
      %swap3A_966 = arith.constant 7 : i32
      %swap3A_967 = arith.index_cast %rem3A_36 : i32 to index
      %swap3A_968 = arith.index_cast %swap3A_966 : i32 to index
      %swap3A_969 = arith.constant 16 : index
      %swap3A_970 = tpu.vector_load %arg7[%swap3A_967, %swap3A_968, %swap3A_969] {strides = array<i32>} : memref<2x16x32xf32, #tpu.memory_space<vmem>>, vector<16xf32>,
      tpu.vector_store %arg7[%swap3A_967, %swap3A_968, %swap3A_969], %gather3A_965 {strides = array<i32>} : memref<2x16x32xf32, #tpu.memory_space<vmem>>, vector<16xf32>,
      %eq3A_971 = arith.constant 8 : i32
      %eq3A_972 = vector.broadcast %eq3A_971 : i32 to vector<16xi32>
      %eq3A_973 = arith.cmpi eq, %iota3A, %eq3A_972 : vector<16xi32>
      %jit3A_974 = arith.constant 0 : i32
      %broadcast_in_dim3A_975 = vector.broadcast %jit3A_974 : i32 to vector<16xi32>
      %select_n3A_976 = arith.select %eq3A_973, %rem3A_41, %broadcast_in_dim3A_975 : vector<16xi1>, vector<16xi32>
      %reduce_max3A_977 = arith.constant true
      %reduce_max3A_978 = vector.broadcast %reduce_max3A_977 : i1 to vector<16xi1>
      %reduce_max3A_979 = arith.constant -2147483648 : i32
      %reduce_max3A_980 = vector.broadcast %reduce_max3A_979 : i32 to vector<16xi32>
      %reduce_max3A_981 = arith.xori %select_n3A_976, %reduce_max3A_980 : vector<16xi32>
      %reduce_max3A_982 = tpu.scan <max>, %reduce_max3A_981 masked %reduce_max3A_978 : vector<16xi32>, vector<16xi1> -> vector<16xi32>
      %reduce_max3A_983 = arith.xori %reduce_max3A_982, %reduce_max3A_980 : vector<16xi32>
      %reduce_max3A_984 = vector.extract %reduce_max3A_983[15] : i32 from vector<16xi32>
      %broadcast_in_dim3A_985 = vector.broadcast %reduce_max3A_984 : i32 to vector<16xi32>
      %broadcast_in_dim3A_986 = arith.constant 8 : i32
      %broadcast_in_dim3A_987 = vector.broadcast %broadcast_in_dim3A_986 : i32 to vector<16xi32>
      %add3A_988 = arith.constant 0 : i32
      %add3A_989 = vector.broadcast %add3A_988 : i32 to vector<16xi32>
      %add3A_990 = arith.addi %iota3A, %add3A_989 : vector<16xi32>
      %gather3A_991 = tpu.vector_load_idx %arg6[%broadcast_in_dim3A_987, %add3A_990, %broadcast_in_dim3A_985] : memref<16x32x128xf32, #tpu.memory_space<vmem>>[vector<16xi32>, vector<16xi32>, vector<16xi32>], vector<16xf32>,
      %swap3A_992 = arith.constant 8 : i32
      %swap3A_993 = arith.index_cast %rem3A_36 : i32 to index
      %swap3A_994 = arith.index_cast %swap3A_992 : i32 to index
      %swap3A_995 = arith.constant 0 : index
      %swap3A_996 = tpu.vector_load %arg7[%swap3A_993, %swap3A_994, %swap3A_995] {strides = array<i32>} : memref<2x16x32xf32, #tpu.memory_space<vmem>>, vector<16xf32>,
      tpu.vector_store %arg7[%swap3A_993, %swap3A_994, %swap3A_995], %gather3A_991 {strides = array<i32>} : memref<2x16x32xf32, #tpu.memory_space<vmem>>, vector<16xf32>,
      %add3A_997 = arith.constant 16 : i32
      %add3A_998 = vector.broadcast %add3A_997 : i32 to vector<16xi32>
      %add3A_999 = arith.addi %iota3A, %add3A_998 : vector<16xi32>
      %gather3A_1000 = tpu.vector_load_idx %arg6[%broadcast_in_dim3A_987, %add3A_999, %broadcast_in_dim3A_985] : memref<16x32x128xf32, #tpu.memory_space<vmem>>[vector<16xi32>, vector<16xi32>, vector<16xi32>], vector<16xf32>,
      %swap3A_1001 = arith.constant 8 : i32
      %swap3A_1002 = arith.index_cast %rem3A_36 : i32 to index
      %swap3A_1003 = arith.index_cast %swap3A_1001 : i32 to index
      %swap3A_1004 = arith.constant 16 : index
      %swap3A_1005 = tpu.vector_load %arg7[%swap3A_1002, %swap3A_1003, %swap3A_1004] {strides = array<i32>} : memref<2x16x32xf32, #tpu.memory_space<vmem>>, vector<16xf32>,
      tpu.vector_store %arg7[%swap3A_1002, %swap3A_1003, %swap3A_1004], %gather3A_1000 {strides = array<i32>} : memref<2x16x32xf32, #tpu.memory_space<vmem>>, vector<16xf32>,
      %eq3A_1006 = arith.constant 9 : i32
      %eq3A_1007 = vector.broadcast %eq3A_1006 : i32 to vector<16xi32>
      %eq3A_1008 = arith.cmpi eq, %iota3A, %eq3A_1007 : vector<16xi32>
      %jit3A_1009 = arith.constant 0 : i32
      %broadcast_in_dim3A_1010 = vector.broadcast %jit3A_1009 : i32 to vector<16xi32>
      %select_n3A_1011 = arith.select %eq3A_1008, %rem3A_41, %broadcast_in_dim3A_1010 : vector<16xi1>, vector<16xi32>
      %reduce_max3A_1012 = arith.constant true
      %reduce_max3A_1013 = vector.broadcast %reduce_max3A_1012 : i1 to vector<16xi1>
      %reduce_max3A_1014 = arith.constant -2147483648 : i32
      %reduce_max3A_1015 = vector.broadcast %reduce_max3A_1014 : i32 to vector<16xi32>
      %reduce_max3A_1016 = arith.xori %select_n3A_1011, %reduce_max3A_1015 : vector<16xi32>
      %reduce_max3A_1017 = tpu.scan <max>, %reduce_max3A_1016 masked %reduce_max3A_1013 : vector<16xi32>, vector<16xi1> -> vector<16xi32>
      %reduce_max3A_1018 = arith.xori %reduce_max3A_1017, %reduce_max3A_1015 : vector<16xi32>
      %reduce_max3A_1019 = vector.extract %reduce_max3A_1018[15] : i32 from vector<16xi32>
      %broadcast_in_dim3A_1020 = vector.broadcast %reduce_max3A_1019 : i32 to vector<16xi32>
      %broadcast_in_dim3A_1021 = arith.constant 9 : i32
      %broadcast_in_dim3A_1022 = vector.broadcast %broadcast_in_dim3A_1021 : i32 to vector<16xi32>
      %add3A_1023 = arith.constant 0 : i32
      %add3A_1024 = vector.broadcast %add3A_1023 : i32 to vector<16xi32>
      %add3A_1025 = arith.addi %iota3A, %add3A_1024 : vector<16xi32>
      %gather3A_1026 = tpu.vector_load_idx %arg6[%broadcast_in_dim3A_1022, %add3A_1025, %broadcast_in_dim3A_1020] : memref<16x32x128xf32, #tpu.memory_space<vmem>>[vector<16xi32>, vector<16xi32>, vector<16xi32>], vector<16xf32>,
      %swap3A_1027 = arith.constant 9 : i32
      %swap3A_1028 = arith.index_cast %rem3A_36 : i32 to index
      %swap3A_1029 = arith.index_cast %swap3A_1027 : i32 to index
      %swap3A_1030 = arith.constant 0 : index
      %swap3A_1031 = tpu.vector_load %arg7[%swap3A_1028, %swap3A_1029, %swap3A_1030] {strides = array<i32>} : memref<2x16x32xf32, #tpu.memory_space<vmem>>, vector<16xf32>,
      tpu.vector_store %arg7[%swap3A_1028, %swap3A_1029, %swap3A_1030], %gather3A_1026 {strides = array<i32>} : memref<2x16x32xf32, #tpu.memory_space<vmem>>, vector<16xf32>,
      %add3A_1032 = arith.constant 16 : i32
      %add3A_1033 = vector.broadcast %add3A_1032 : i32 to vector<16xi32>
      %add3A_1034 = arith.addi %iota3A, %add3A_1033 : vector<16xi32>
      %gather3A_1035 = tpu.vector_load_idx %arg6[%broadcast_in_dim3A_1022, %add3A_1034, %broadcast_in_dim3A_1020] : memref<16x32x128xf32, #tpu.memory_space<vmem>>[vector<16xi32>, vector<16xi32>, vector<16xi32>], vector<16xf32>,
      %swap3A_1036 = arith.constant 9 : i32
      %swap3A_1037 = arith.index_cast %rem3A_36 : i32 to index
      %swap3A_1038 = arith.index_cast %swap3A_1036 : i32 to index
      %swap3A_1039 = arith.constant 16 : index
      %swap3A_1040 = tpu.vector_load %arg7[%swap3A_1037, %swap3A_1038, %swap3A_1039] {strides = array<i32>} : memref<2x16x32xf32, #tpu.memory_space<vmem>>, vector<16xf32>,
      tpu.vector_store %arg7[%swap3A_1037, %swap3A_1038, %swap3A_1039], %gather3A_1035 {strides = array<i32>} : memref<2x16x32xf32, #tpu.memory_space<vmem>>, vector<16xf32>,
      %eq3A_1041 = arith.constant 10 : i32
      %eq3A_1042 = vector.broadcast %eq3A_1041 : i32 to vector<16xi32>
      %eq3A_1043 = arith.cmpi eq, %iota3A, %eq3A_1042 : vector<16xi32>
      %jit3A_1044 = arith.constant 0 : i32
      %broadcast_in_dim3A_1045 = vector.broadcast %jit3A_1044 : i32 to vector<16xi32>
      %select_n3A_1046 = arith.select %eq3A_1043, %rem3A_41, %broadcast_in_dim3A_1045 : vector<16xi1>, vector<16xi32>
      %reduce_max3A_1047 = arith.constant true
      %reduce_max3A_1048 = vector.broadcast %reduce_max3A_1047 : i1 to vector<16xi1>
      %reduce_max3A_1049 = arith.constant -2147483648 : i32
      %reduce_max3A_1050 = vector.broadcast %reduce_max3A_1049 : i32 to vector<16xi32>
      %reduce_max3A_1051 = arith.xori %select_n3A_1046, %reduce_max3A_1050 : vector<16xi32>
      %reduce_max3A_1052 = tpu.scan <max>, %reduce_max3A_1051 masked %reduce_max3A_1048 : vector<16xi32>, vector<16xi1> -> vector<16xi32>
      %reduce_max3A_1053 = arith.xori %reduce_max3A_1052, %reduce_max3A_1050 : vector<16xi32>
      %reduce_max3A_1054 = vector.extract %reduce_max3A_1053[15] : i32 from vector<16xi32>
      %broadcast_in_dim3A_1055 = vector.broadcast %reduce_max3A_1054 : i32 to vector<16xi32>
      %broadcast_in_dim3A_1056 = arith.constant 10 : i32
      %broadcast_in_dim3A_1057 = vector.broadcast %broadcast_in_dim3A_1056 : i32 to vector<16xi32>
      %add3A_1058 = arith.constant 0 : i32
      %add3A_1059 = vector.broadcast %add3A_1058 : i32 to vector<16xi32>
      %add3A_1060 = arith.addi %iota3A, %add3A_1059 : vector<16xi32>
      %gather3A_1061 = tpu.vector_load_idx %arg6[%broadcast_in_dim3A_1057, %add3A_1060, %broadcast_in_dim3A_1055] : memref<16x32x128xf32, #tpu.memory_space<vmem>>[vector<16xi32>, vector<16xi32>, vector<16xi32>], vector<16xf32>,
      %swap3A_1062 = arith.constant 10 : i32
      %swap3A_1063 = arith.index_cast %rem3A_36 : i32 to index
      %swap3A_1064 = arith.index_cast %swap3A_1062 : i32 to index
      %swap3A_1065 = arith.constant 0 : index
      %swap3A_1066 = tpu.vector_load %arg7[%swap3A_1063, %swap3A_1064, %swap3A_1065] {strides = array<i32>} : memref<2x16x32xf32, #tpu.memory_space<vmem>>, vector<16xf32>,
      tpu.vector_store %arg7[%swap3A_1063, %swap3A_1064, %swap3A_1065], %gather3A_1061 {strides = array<i32>} : memref<2x16x32xf32, #tpu.memory_space<vmem>>, vector<16xf32>,
      %add3A_1067 = arith.constant 16 : i32
      %add3A_1068 = vector.broadcast %add3A_1067 : i32 to vector<16xi32>
      %add3A_1069 = arith.addi %iota3A, %add3A_1068 : vector<16xi32>
      %gather3A_1070 = tpu.vector_load_idx %arg6[%broadcast_in_dim3A_1057, %add3A_1069, %broadcast_in_dim3A_1055] : memref<16x32x128xf32, #tpu.memory_space<vmem>>[vector<16xi32>, vector<16xi32>, vector<16xi32>], vector<16xf32>,
      %swap3A_1071 = arith.constant 10 : i32
      %swap3A_1072 = arith.index_cast %rem3A_36 : i32 to index
      %swap3A_1073 = arith.index_cast %swap3A_1071 : i32 to index
      %swap3A_1074 = arith.constant 16 : index
      %swap3A_1075 = tpu.vector_load %arg7[%swap3A_1072, %swap3A_1073, %swap3A_1074] {strides = array<i32>} : memref<2x16x32xf32, #tpu.memory_space<vmem>>, vector<16xf32>,
      tpu.vector_store %arg7[%swap3A_1072, %swap3A_1073, %swap3A_1074], %gather3A_1070 {strides = array<i32>} : memref<2x16x32xf32, #tpu.memory_space<vmem>>, vector<16xf32>,
      %eq3A_1076 = arith.constant 11 : i32
      %eq3A_1077 = vector.broadcast %eq3A_1076 : i32 to vector<16xi32>
      %eq3A_1078 = arith.cmpi eq, %iota3A, %eq3A_1077 : vector<16xi32>
      %jit3A_1079 = arith.constant 0 : i32
      %broadcast_in_dim3A_1080 = vector.broadcast %jit3A_1079 : i32 to vector<16xi32>
      %select_n3A_1081 = arith.select %eq3A_1078, %rem3A_41, %broadcast_in_dim3A_1080 : vector<16xi1>, vector<16xi32>
      %reduce_max3A_1082 = arith.constant true
      %reduce_max3A_1083 = vector.broadcast %reduce_max3A_1082 : i1 to vector<16xi1>
      %reduce_max3A_1084 = arith.constant -2147483648 : i32
      %reduce_max3A_1085 = vector.broadcast %reduce_max3A_1084 : i32 to vector<16xi32>
      %reduce_max3A_1086 = arith.xori %select_n3A_1081, %reduce_max3A_1085 : vector<16xi32>
      %reduce_max3A_1087 = tpu.scan <max>, %reduce_max3A_1086 masked %reduce_max3A_1083 : vector<16xi32>, vector<16xi1> -> vector<16xi32>
      %reduce_max3A_1088 = arith.xori %reduce_max3A_1087, %reduce_max3A_1085 : vector<16xi32>
      %reduce_max3A_1089 = vector.extract %reduce_max3A_1088[15] : i32 from vector<16xi32>
      %broadcast_in_dim3A_1090 = vector.broadcast %reduce_max3A_1089 : i32 to vector<16xi32>
      %broadcast_in_dim3A_1091 = arith.constant 11 : i32
      %broadcast_in_dim3A_1092 = vector.broadcast %broadcast_in_dim3A_1091 : i32 to vector<16xi32>
      %add3A_1093 = arith.constant 0 : i32
      %add3A_1094 = vector.broadcast %add3A_1093 : i32 to vector<16xi32>
      %add3A_1095 = arith.addi %iota3A, %add3A_1094 : vector<16xi32>
      %gather3A_1096 = tpu.vector_load_idx %arg6[%broadcast_in_dim3A_1092, %add3A_1095, %broadcast_in_dim3A_1090] : memref<16x32x128xf32, #tpu.memory_space<vmem>>[vector<16xi32>, vector<16xi32>, vector<16xi32>], vector<16xf32>,
      %swap3A_1097 = arith.constant 11 : i32
      %swap3A_1098 = arith.index_cast %rem3A_36 : i32 to index
      %swap3A_1099 = arith.index_cast %swap3A_1097 : i32 to index
      %swap3A_1100 = arith.constant 0 : index
      %swap3A_1101 = tpu.vector_load %arg7[%swap3A_1098, %swap3A_1099, %swap3A_1100] {strides = array<i32>} : memref<2x16x32xf32, #tpu.memory_space<vmem>>, vector<16xf32>,
      tpu.vector_store %arg7[%swap3A_1098, %swap3A_1099, %swap3A_1100], %gather3A_1096 {strides = array<i32>} : memref<2x16x32xf32, #tpu.memory_space<vmem>>, vector<16xf32>,
      %add3A_1102 = arith.constant 16 : i32
      %add3A_1103 = vector.broadcast %add3A_1102 : i32 to vector<16xi32>
      %add3A_1104 = arith.addi %iota3A, %add3A_1103 : vector<16xi32>
      %gather3A_1105 = tpu.vector_load_idx %arg6[%broadcast_in_dim3A_1092, %add3A_1104, %broadcast_in_dim3A_1090] : memref<16x32x128xf32, #tpu.memory_space<vmem>>[vector<16xi32>, vector<16xi32>, vector<16xi32>], vector<16xf32>,
      %swap3A_1106 = arith.constant 11 : i32
      %swap3A_1107 = arith.index_cast %rem3A_36 : i32 to index
      %swap3A_1108 = arith.index_cast %swap3A_1106 : i32 to index
      %swap3A_1109 = arith.constant 16 : index
      %swap3A_1110 = tpu.vector_load %arg7[%swap3A_1107, %swap3A_1108, %swap3A_1109] {strides = array<i32>} : memref<2x16x32xf32, #tpu.memory_space<vmem>>, vector<16xf32>,
      tpu.vector_store %arg7[%swap3A_1107, %swap3A_1108, %swap3A_1109], %gather3A_1105 {strides = array<i32>} : memref<2x16x32xf32, #tpu.memory_space<vmem>>, vector<16xf32>,
      %eq3A_1111 = arith.constant 12 : i32
      %eq3A_1112 = vector.broadcast %eq3A_1111 : i32 to vector<16xi32>
      %eq3A_1113 = arith.cmpi eq, %iota3A, %eq3A_1112 : vector<16xi32>
      %jit3A_1114 = arith.constant 0 : i32
      %broadcast_in_dim3A_1115 = vector.broadcast %jit3A_1114 : i32 to vector<16xi32>
      %select_n3A_1116 = arith.select %eq3A_1113, %rem3A_41, %broadcast_in_dim3A_1115 : vector<16xi1>, vector<16xi32>
      %reduce_max3A_1117 = arith.constant true
      %reduce_max3A_1118 = vector.broadcast %reduce_max3A_1117 : i1 to vector<16xi1>
      %reduce_max3A_1119 = arith.constant -2147483648 : i32
      %reduce_max3A_1120 = vector.broadcast %reduce_max3A_1119 : i32 to vector<16xi32>
      %reduce_max3A_1121 = arith.xori %select_n3A_1116, %reduce_max3A_1120 : vector<16xi32>
      %reduce_max3A_1122 = tpu.scan <max>, %reduce_max3A_1121 masked %reduce_max3A_1118 : vector<16xi32>, vector<16xi1> -> vector<16xi32>
      %reduce_max3A_1123 = arith.xori %reduce_max3A_1122, %reduce_max3A_1120 : vector<16xi32>
      %reduce_max3A_1124 = vector.extract %reduce_max3A_1123[15] : i32 from vector<16xi32>
      %broadcast_in_dim3A_1125 = vector.broadcast %reduce_max3A_1124 : i32 to vector<16xi32>
      %broadcast_in_dim3A_1126 = arith.constant 12 : i32
      %broadcast_in_dim3A_1127 = vector.broadcast %broadcast_in_dim3A_1126 : i32 to vector<16xi32>
      %add3A_1128 = arith.constant 0 : i32
      %add3A_1129 = vector.broadcast %add3A_1128 : i32 to vector<16xi32>
      %add3A_1130 = arith.addi %iota3A, %add3A_1129 : vector<16xi32>
      %gather3A_1131 = tpu.vector_load_idx %arg6[%broadcast_in_dim3A_1127, %add3A_1130, %broadcast_in_dim3A_1125] : memref<16x32x128xf32, #tpu.memory_space<vmem>>[vector<16xi32>, vector<16xi32>, vector<16xi32>], vector<16xf32>,
      %swap3A_1132 = arith.constant 12 : i32
      %swap3A_1133 = arith.index_cast %rem3A_36 : i32 to index
      %swap3A_1134 = arith.index_cast %swap3A_1132 : i32 to index
      %swap3A_1135 = arith.constant 0 : index
      %swap3A_1136 = tpu.vector_load %arg7[%swap3A_1133, %swap3A_1134, %swap3A_1135] {strides = array<i32>} : memref<2x16x32xf32, #tpu.memory_space<vmem>>, vector<16xf32>,
      tpu.vector_store %arg7[%swap3A_1133, %swap3A_1134, %swap3A_1135], %gather3A_1131 {strides = array<i32>} : memref<2x16x32xf32, #tpu.memory_space<vmem>>, vector<16xf32>,
      %add3A_1137 = arith.constant 16 : i32
      %add3A_1138 = vector.broadcast %add3A_1137 : i32 to vector<16xi32>
      %add3A_1139 = arith.addi %iota3A, %add3A_1138 : vector<16xi32>
      %gather3A_1140 = tpu.vector_load_idx %arg6[%broadcast_in_dim3A_1127, %add3A_1139, %broadcast_in_dim3A_1125] : memref<16x32x128xf32, #tpu.memory_space<vmem>>[vector<16xi32>, vector<16xi32>, vector<16xi32>], vector<16xf32>,
      %swap3A_1141 = arith.constant 12 : i32
      %swap3A_1142 = arith.index_cast %rem3A_36 : i32 to index
      %swap3A_1143 = arith.index_cast %swap3A_1141 : i32 to index
      %swap3A_1144 = arith.constant 16 : index
      %swap3A_1145 = tpu.vector_load %arg7[%swap3A_1142, %swap3A_1143, %swap3A_1144] {strides = array<i32>} : memref<2x16x32xf32, #tpu.memory_space<vmem>>, vector<16xf32>,
      tpu.vector_store %arg7[%swap3A_1142, %swap3A_1143, %swap3A_1144], %gather3A_1140 {strides = array<i32>} : memref<2x16x32xf32, #tpu.memory_space<vmem>>, vector<16xf32>,
      %eq3A_1146 = arith.constant 13 : i32
      %eq3A_1147 = vector.broadcast %eq3A_1146 : i32 to vector<16xi32>
      %eq3A_1148 = arith.cmpi eq, %iota3A, %eq3A_1147 : vector<16xi32>
      %jit3A_1149 = arith.constant 0 : i32
      %broadcast_in_dim3A_1150 = vector.broadcast %jit3A_1149 : i32 to vector<16xi32>
      %select_n3A_1151 = arith.select %eq3A_1148, %rem3A_41, %broadcast_in_dim3A_1150 : vector<16xi1>, vector<16xi32>
      %reduce_max3A_1152 = arith.constant true
      %reduce_max3A_1153 = vector.broadcast %reduce_max3A_1152 : i1 to vector<16xi1>
      %reduce_max3A_1154 = arith.constant -2147483648 : i32
      %reduce_max3A_1155 = vector.broadcast %reduce_max3A_1154 : i32 to vector<16xi32>
      %reduce_max3A_1156 = arith.xori %select_n3A_1151, %reduce_max3A_1155 : vector<16xi32>
      %reduce_max3A_1157 = tpu.scan <max>, %reduce_max3A_1156 masked %reduce_max3A_1153 : vector<16xi32>, vector<16xi1> -> vector<16xi32>
      %reduce_max3A_1158 = arith.xori %reduce_max3A_1157, %reduce_max3A_1155 : vector<16xi32>
      %reduce_max3A_1159 = vector.extract %reduce_max3A_1158[15] : i32 from vector<16xi32>
      %broadcast_in_dim3A_1160 = vector.broadcast %reduce_max3A_1159 : i32 to vector<16xi32>
      %broadcast_in_dim3A_1161 = arith.constant 13 : i32
      %broadcast_in_dim3A_1162 = vector.broadcast %broadcast_in_dim3A_1161 : i32 to vector<16xi32>
      %add3A_1163 = arith.constant 0 : i32
      %add3A_1164 = vector.broadcast %add3A_1163 : i32 to vector<16xi32>
      %add3A_1165 = arith.addi %iota3A, %add3A_1164 : vector<16xi32>
      %gather3A_1166 = tpu.vector_load_idx %arg6[%broadcast_in_dim3A_1162, %add3A_1165, %broadcast_in_dim3A_1160] : memref<16x32x128xf32, #tpu.memory_space<vmem>>[vector<16xi32>, vector<16xi32>, vector<16xi32>], vector<16xf32>,
      %swap3A_1167 = arith.constant 13 : i32
      %swap3A_1168 = arith.index_cast %rem3A_36 : i32 to index
      %swap3A_1169 = arith.index_cast %swap3A_1167 : i32 to index
      %swap3A_1170 = arith.constant 0 : index
      %swap3A_1171 = tpu.vector_load %arg7[%swap3A_1168, %swap3A_1169, %swap3A_1170] {strides = array<i32>} : memref<2x16x32xf32, #tpu.memory_space<vmem>>, vector<16xf32>,
      tpu.vector_store %arg7[%swap3A_1168, %swap3A_1169, %swap3A_1170], %gather3A_1166 {strides = array<i32>} : memref<2x16x32xf32, #tpu.memory_space<vmem>>, vector<16xf32>,
      %add3A_1172 = arith.constant 16 : i32
      %add3A_1173 = vector.broadcast %add3A_1172 : i32 to vector<16xi32>
      %add3A_1174 = arith.addi %iota3A, %add3A_1173 : vector<16xi32>
      %gather3A_1175 = tpu.vector_load_idx %arg6[%broadcast_in_dim3A_1162, %add3A_1174, %broadcast_in_dim3A_1160] : memref<16x32x128xf32, #tpu.memory_space<vmem>>[vector<16xi32>, vector<16xi32>, vector<16xi32>], vector<16xf32>,
      %swap3A_1176 = arith.constant 13 : i32
      %swap3A_1177 = arith.index_cast %rem3A_36 : i32 to index
      %swap3A_1178 = arith.index_cast %swap3A_1176 : i32 to index
      %swap3A_1179 = arith.constant 16 : index
      %swap3A_1180 = tpu.vector_load %arg7[%swap3A_1177, %swap3A_1178, %swap3A_1179] {strides = array<i32>} : memref<2x16x32xf32, #tpu.memory_space<vmem>>, vector<16xf32>,
      tpu.vector_store %arg7[%swap3A_1177, %swap3A_1178, %swap3A_1179], %gather3A_1175 {strides = array<i32>} : memref<2x16x32xf32, #tpu.memory_space<vmem>>, vector<16xf32>,
      %eq3A_1181 = arith.constant 14 : i32
      %eq3A_1182 = vector.broadcast %eq3A_1181 : i32 to vector<16xi32>
      %eq3A_1183 = arith.cmpi eq, %iota3A, %eq3A_1182 : vector<16xi32>
      %jit3A_1184 = arith.constant 0 : i32
      %broadcast_in_dim3A_1185 = vector.broadcast %jit3A_1184 : i32 to vector<16xi32>
      %select_n3A_1186 = arith.select %eq3A_1183, %rem3A_41, %broadcast_in_dim3A_1185 : vector<16xi1>, vector<16xi32>
      %reduce_max3A_1187 = arith.constant true
      %reduce_max3A_1188 = vector.broadcast %reduce_max3A_1187 : i1 to vector<16xi1>
      %reduce_max3A_1189 = arith.constant -2147483648 : i32
      %reduce_max3A_1190 = vector.broadcast %reduce_max3A_1189 : i32 to vector<16xi32>
      %reduce_max3A_1191 = arith.xori %select_n3A_1186, %reduce_max3A_1190 : vector<16xi32>
      %reduce_max3A_1192 = tpu.scan <max>, %reduce_max3A_1191 masked %reduce_max3A_1188 : vector<16xi32>, vector<16xi1> -> vector<16xi32>
      %reduce_max3A_1193 = arith.xori %reduce_max3A_1192, %reduce_max3A_1190 : vector<16xi32>
      %reduce_max3A_1194 = vector.extract %reduce_max3A_1193[15] : i32 from vector<16xi32>
      %broadcast_in_dim3A_1195 = vector.broadcast %reduce_max3A_1194 : i32 to vector<16xi32>
      %broadcast_in_dim3A_1196 = arith.constant 14 : i32
      %broadcast_in_dim3A_1197 = vector.broadcast %broadcast_in_dim3A_1196 : i32 to vector<16xi32>
      %add3A_1198 = arith.constant 0 : i32
      %add3A_1199 = vector.broadcast %add3A_1198 : i32 to vector<16xi32>
      %add3A_1200 = arith.addi %iota3A, %add3A_1199 : vector<16xi32>
      %gather3A_1201 = tpu.vector_load_idx %arg6[%broadcast_in_dim3A_1197, %add3A_1200, %broadcast_in_dim3A_1195] : memref<16x32x128xf32, #tpu.memory_space<vmem>>[vector<16xi32>, vector<16xi32>, vector<16xi32>], vector<16xf32>,
      %swap3A_1202 = arith.constant 14 : i32
      %swap3A_1203 = arith.index_cast %rem3A_36 : i32 to index
      %swap3A_1204 = arith.index_cast %swap3A_1202 : i32 to index
      %swap3A_1205 = arith.constant 0 : index
      %swap3A_1206 = tpu.vector_load %arg7[%swap3A_1203, %swap3A_1204, %swap3A_1205] {strides = array<i32>} : memref<2x16x32xf32, #tpu.memory_space<vmem>>, vector<16xf32>,
      tpu.vector_store %arg7[%swap3A_1203, %swap3A_1204, %swap3A_1205], %gather3A_1201 {strides = array<i32>} : memref<2x16x32xf32, #tpu.memory_space<vmem>>, vector<16xf32>,
      %add3A_1207 = arith.constant 16 : i32
      %add3A_1208 = vector.broadcast %add3A_1207 : i32 to vector<16xi32>
      %add3A_1209 = arith.addi %iota3A, %add3A_1208 : vector<16xi32>
      %gather3A_1210 = tpu.vector_load_idx %arg6[%broadcast_in_dim3A_1197, %add3A_1209, %broadcast_in_dim3A_1195] : memref<16x32x128xf32, #tpu.memory_space<vmem>>[vector<16xi32>, vector<16xi32>, vector<16xi32>], vector<16xf32>,
      %swap3A_1211 = arith.constant 14 : i32
      %swap3A_1212 = arith.index_cast %rem3A_36 : i32 to index
      %swap3A_1213 = arith.index_cast %swap3A_1211 : i32 to index
      %swap3A_1214 = arith.constant 16 : index
      %swap3A_1215 = tpu.vector_load %arg7[%swap3A_1212, %swap3A_1213, %swap3A_1214] {strides = array<i32>} : memref<2x16x32xf32, #tpu.memory_space<vmem>>, vector<16xf32>,
      tpu.vector_store %arg7[%swap3A_1212, %swap3A_1213, %swap3A_1214], %gather3A_1210 {strides = array<i32>} : memref<2x16x32xf32, #tpu.memory_space<vmem>>, vector<16xf32>,
      %eq3A_1216 = arith.constant 15 : i32
      %eq3A_1217 = vector.broadcast %eq3A_1216 : i32 to vector<16xi32>
      %eq3A_1218 = arith.cmpi eq, %iota3A, %eq3A_1217 : vector<16xi32>
      %jit3A_1219 = arith.constant 0 : i32
      %broadcast_in_dim3A_1220 = vector.broadcast %jit3A_1219 : i32 to vector<16xi32>
      %select_n3A_1221 = arith.select %eq3A_1218, %rem3A_41, %broadcast_in_dim3A_1220 : vector<16xi1>, vector<16xi32>
      %reduce_max3A_1222 = arith.constant true
      %reduce_max3A_1223 = vector.broadcast %reduce_max3A_1222 : i1 to vector<16xi1>
      %reduce_max3A_1224 = arith.constant -2147483648 : i32
      %reduce_max3A_1225 = vector.broadcast %reduce_max3A_1224 : i32 to vector<16xi32>
      %reduce_max3A_1226 = arith.xori %select_n3A_1221, %reduce_max3A_1225 : vector<16xi32>
      %reduce_max3A_1227 = tpu.scan <max>, %reduce_max3A_1226 masked %reduce_max3A_1223 : vector<16xi32>, vector<16xi1> -> vector<16xi32>
      %reduce_max3A_1228 = arith.xori %reduce_max3A_1227, %reduce_max3A_1225 : vector<16xi32>
      %reduce_max3A_1229 = vector.extract %reduce_max3A_1228[15] : i32 from vector<16xi32>
      %broadcast_in_dim3A_1230 = vector.broadcast %reduce_max3A_1229 : i32 to vector<16xi32>
      %broadcast_in_dim3A_1231 = arith.constant 15 : i32
      %broadcast_in_dim3A_1232 = vector.broadcast %broadcast_in_dim3A_1231 : i32 to vector<16xi32>
      %add3A_1233 = arith.constant 0 : i32
      %add3A_1234 = vector.broadcast %add3A_1233 : i32 to vector<16xi32>
      %add3A_1235 = arith.addi %iota3A, %add3A_1234 : vector<16xi32>
      %gather3A_1236 = tpu.vector_load_idx %arg6[%broadcast_in_dim3A_1232, %add3A_1235, %broadcast_in_dim3A_1230] : memref<16x32x128xf32, #tpu.memory_space<vmem>>[vector<16xi32>, vector<16xi32>, vector<16xi32>], vector<16xf32>,
      %swap3A_1237 = arith.constant 15 : i32
      %swap3A_1238 = arith.index_cast %rem3A_36 : i32 to index
      %swap3A_1239 = arith.index_cast %swap3A_1237 : i32 to index
      %swap3A_1240 = arith.constant 0 : index
      %swap3A_1241 = tpu.vector_load %arg7[%swap3A_1238, %swap3A_1239, %swap3A_1240] {strides = array<i32>} : memref<2x16x32xf32, #tpu.memory_space<vmem>>, vector<16xf32>,
      tpu.vector_store %arg7[%swap3A_1238, %swap3A_1239, %swap3A_1240], %gather3A_1236 {strides = array<i32>} : memref<2x16x32xf32, #tpu.memory_space<vmem>>, vector<16xf32>,
      %add3A_1242 = arith.constant 16 : i32
      %add3A_1243 = vector.broadcast %add3A_1242 : i32 to vector<16xi32>
      %add3A_1244 = arith.addi %iota3A, %add3A_1243 : vector<16xi32>
      %gather3A_1245 = tpu.vector_load_idx %arg6[%broadcast_in_dim3A_1232, %add3A_1244, %broadcast_in_dim3A_1230] : memref<16x32x128xf32, #tpu.memory_space<vmem>>[vector<16xi32>, vector<16xi32>, vector<16xi32>], vector<16xf32>,
      %swap3A_1246 = arith.constant 15 : i32
      %swap3A_1247 = arith.index_cast %rem3A_36 : i32 to index
      %swap3A_1248 = arith.index_cast %swap3A_1246 : i32 to index
      %swap3A_1249 = arith.constant 16 : index
      %swap3A_1250 = tpu.vector_load %arg7[%swap3A_1247, %swap3A_1248, %swap3A_1249] {strides = array<i32>} : memref<2x16x32xf32, #tpu.memory_space<vmem>>, vector<16xf32>,
      tpu.vector_store %arg7[%swap3A_1247, %swap3A_1248, %swap3A_1249], %gather3A_1245 {strides = array<i32>} : memref<2x16x32xf32, #tpu.memory_space<vmem>>, vector<16xf32>,
      %mul3A_1251 = arith.constant 16 : i32
      %mul3A_1252 = arith.muli %scan3A_34, %mul3A_1251 : i32
      %add3A_1253 = arith.addi %mul3A_2, %mul3A_1252 : i32
      %dma_start3A_1254 = arith.constant 0 : i32
      %dma_start3A_1255 = arith.constant 0 : i32
      %dma_start3A_1256 = tpu.memref_slice %arg7[%rem3A_36, %dma_start3A_1254, %dma_start3A_1255] : memref<2x16x32xf32, #tpu.memory_space<vmem>> -> memref<1x16x32xf32, #tpu.memory_space<vmem>>
      %dma_start3A_1257 = tpu.memref_squeeze %dma_start3A_1256 : memref<1x16x32xf32, #tpu.memory_space<vmem>> -> memref<16x32xf32, #tpu.memory_space<vmem>>
      %dma_start3A_1258 = arith.constant 0 : i32
      %dma_start3A_1259 = tpu.memref_slice %arg4[%add3A_1253, %dma_start3A_1258] : memref<20480x32xf32, #tpu.memory_space<hbm>> -> memref<16x32xf32, #tpu.memory_space<hbm>>
      %dma_start3A_1260 = arith.constant 0 : i32
      %dma_start3A_1261 = tpu.memref_slice %arg4[%add3A_1253, %dma_start3A_1260] : memref<20480x32xf32, #tpu.memory_space<hbm>> -> memref<16x32xf32, #tpu.memory_space<hbm>>
      %dma_start3A_1262 = arith.constant 0 : i32
      %dma_start3A_1263 = arith.constant 0 : i32
      %dma_start3A_1264 = tpu.memref_slice %arg7[%rem3A_36, %dma_start3A_1262, %dma_start3A_1263] : memref<2x16x32xf32, #tpu.memory_space<vmem>> -> memref<1x16x32xf32, #tpu.memory_space<vmem>>
      %dma_start3A_1265 = tpu.memref_squeeze %dma_start3A_1264 : memref<1x16x32xf32, #tpu.memory_space<vmem>> -> memref<16x32xf32, #tpu.memory_space<vmem>>
      tpu.enqueue_dma source(%dma_start3A_1265 : memref<16x32xf32, #tpu.memory_space<vmem>>) target(%dma_start3A_1261 : memref<16x32xf32, #tpu.memory_space<hbm>>) target_semaphore(%arg9 : memref<!tpu.dma_semaphore, #tpu.memory_space<semaphore_mem>>)
      %scan3A_1266 = arith.constant 0 : i32
      scf.yield %scan3A_1266 : i32
    }
    %scan3A_8 = arith.constant 40 : i32
    %dma_wait3A = arith.constant 0 : i32
    %dma_wait3A_9 = arith.constant 0 : i32
    %dma_wait3A_10 = arith.constant 0 : i32
    %dma_wait3A_11 = tpu.memref_slice %arg7[%dma_wait3A, %dma_wait3A_9, %dma_wait3A_10] : memref<2x16x32xf32, #tpu.memory_space<vmem>> -> memref<1x16x32xf32, #tpu.memory_space<vmem>>
    %dma_wait3A_12 = tpu.memref_squeeze %dma_wait3A_11 : memref<1x16x32xf32, #tpu.memory_space<vmem>> -> memref<16x32xf32, #tpu.memory_space<vmem>>
    %dma_wait3A_13 = arith.constant 0 : i32
    %dma_wait3A_14 = tpu.memref_slice %arg4[%mul3A_2, %dma_wait3A_13] : memref<20480x32xf32, #tpu.memory_space<hbm>> -> memref<16x32xf32, #tpu.memory_space<hbm>>
    %dma_wait3A_15 = arith.constant 0 : i32
    %dma_wait3A_16 = tpu.memref_slice %arg4[%mul3A_2, %dma_wait3A_15] : memref<20480x32xf32, #tpu.memory_space<hbm>> -> memref<16x32xf32, #tpu.memory_space<hbm>>
    %dma_wait3A_17 = arith.constant 0 : i32
    %dma_wait3A_18 = arith.constant 0 : i32
    %dma_wait3A_19 = tpu.memref_slice %arg7[%dma_wait3A, %dma_wait3A_17, %dma_wait3A_18] : memref<2x16x32xf32, #tpu.memory_space<vmem>> -> memref<1x16x32xf32, #tpu.memory_space<vmem>>
    %dma_wait3A_20 = tpu.memref_squeeze %dma_wait3A_19 : memref<1x16x32xf32, #tpu.memory_space<vmem>> -> memref<16x32xf32, #tpu.memory_space<vmem>>
    tpu.wait_dma2 semaphore(%arg9 : memref<!tpu.dma_semaphore, #tpu.memory_space<semaphore_mem>>) src(%dma_wait3A_20 : memref<16x32xf32, #tpu.memory_space<vmem>>) dst(%dma_wait3A_16 : memref<16x32xf32, #tpu.memory_space<hbm>>)
    %dma_wait3A_21 = arith.constant 0 : i32
    %dma_wait3A_22 = arith.constant 0 : i32
    %dma_wait3A_23 = arith.constant 0 : i32
    %dma_wait3A_24 = tpu.memref_slice %arg7[%dma_wait3A_21, %dma_wait3A_22, %dma_wait3A_23] : memref<2x16x32xf32, #tpu.memory_space<vmem>> -> memref<1x16x32xf32, #tpu.memory_space<vmem>>
    %dma_wait3A_25 = tpu.memref_squeeze %dma_wait3A_24 : memref<1x16x32xf32, #tpu.memory_space<vmem>> -> memref<16x32xf32, #tpu.memory_space<vmem>>
    %dma_wait3A_26 = arith.constant 0 : i32
    %dma_wait3A_27 = tpu.memref_slice %arg4[%mul3A_2, %dma_wait3A_26] : memref<20480x32xf32, #tpu.memory_space<hbm>> -> memref<16x32xf32, #tpu.memory_space<hbm>>
    %dma_wait3A_28 = arith.constant 0 : i32
    %dma_wait3A_29 = tpu.memref_slice %arg4[%mul3A_2, %dma_wait3A_28] : memref<20480x32xf32, #tpu.memory_space<hbm>> -> memref<16x32xf32, #tpu.memory_space<hbm>>
    %dma_wait3A_30 = arith.constant 0 : i32
    %dma_wait3A_31 = arith.constant 0 : i32
    %dma_wait3A_32 = tpu.memref_slice %arg7[%dma_wait3A_21, %dma_wait3A_30, %dma_wait3A_31] : memref<2x16x32xf32, #tpu.memory_space<vmem>> -> memref<1x16x32xf32, #tpu.memory_space<vmem>>
    %dma_wait3A_33 = tpu.memref_squeeze %dma_wait3A_32 : memref<1x16x32xf32, #tpu.memory_space<vmem>> -> memref<16x32xf32, #tpu.memory_space<vmem>>
    tpu.wait_dma2 semaphore(%arg9 : memref<!tpu.dma_semaphore, #tpu.memory_space<semaphore_mem>>) src(%dma_wait3A_33 : memref<16x32xf32, #tpu.memory_space<vmem>>) dst(%dma_wait3A_29 : memref<16x32xf32, #tpu.memory_space<hbm>>)
    return
  }
}

module attributes {stable_mosaic.version = 14 : i64} {
  func.func @body(%arg0: memref<20x1024x32xf32, #tpu.memory_space<vmem>>, %arg1: memref<160x512xf32, #tpu.memory_space<vmem>>, %arg2: memref<160x512xf32, #tpu.memory_space<vmem>>, %arg3: memref<1x512xf32, #tpu.memory_space<vmem>>, %arg4: memref<1x512xf32, #tpu.memory_space<vmem>>, %arg5: memref<128x128xf32, #tpu.memory_space<vmem>>, %arg6: memref<128x128xf32, #tpu.memory_space<vmem>>, %arg7: memref<1x128xf32, #tpu.memory_space<vmem>>, %arg8: memref<128x4xf32, #tpu.memory_space<vmem>>, %arg9: memref<1x4xf32, #tpu.memory_space<vmem>>, %arg10: memref<1024x4xf32, #tpu.memory_space<vmem>>, %arg11: memref<1024x128xf32, #tpu.memory_space<vmem>>, %arg12: memref<1024x128xf32, #tpu.memory_space<vmem>>, %arg13: memref<1024x128xf32, #tpu.memory_space<vmem>>, %arg14: memref<1024x128xf32, #tpu.memory_space<vmem>>, %arg15: memref<1024x128xf32, #tpu.memory_space<vmem>>, %arg16: memref<1024x128xf32, #tpu.memory_space<vmem>>) attributes {dimension_semantics = [], scalar_prefetch = 0 : i64, scratch_operands = 6 : i64, tpu.core_type = #tpu.core_type<tc>} {
    %broadcast_in_dim3A = arith.constant 0.000000e+00 : f32
    %broadcast_in_dim3A_0 = vector.broadcast %broadcast_in_dim3A : f32 to vector<1024x128xf32>
    %swap3A = arith.constant 0 : index
    %swap3A_1 = arith.constant 0 : index
    %swap3A_2 = vector.load %arg11[%swap3A, %swap3A_1] : memref<1024x128xf32, #tpu.memory_space<vmem>>, vector<1024x128xf32>
    tpu.vector_store %arg11[%swap3A, %swap3A_1], %broadcast_in_dim3A_0 {strides = array<i32>} : memref<1024x128xf32, #tpu.memory_space<vmem>>, vector<1024x128xf32>,
    %swap3A_3 = arith.constant 0 : index
    %swap3A_4 = arith.constant 0 : index
    %swap3A_5 = vector.load %arg12[%swap3A_3, %swap3A_4] : memref<1024x128xf32, #tpu.memory_space<vmem>>, vector<1024x128xf32>
    tpu.vector_store %arg12[%swap3A_3, %swap3A_4], %broadcast_in_dim3A_0 {strides = array<i32>} : memref<1024x128xf32, #tpu.memory_space<vmem>>, vector<1024x128xf32>,
    %swap3A_6 = arith.constant 0 : index
    %swap3A_7 = arith.constant 0 : index
    %swap3A_8 = vector.load %arg13[%swap3A_6, %swap3A_7] : memref<1024x128xf32, #tpu.memory_space<vmem>>, vector<1024x128xf32>
    tpu.vector_store %arg13[%swap3A_6, %swap3A_7], %broadcast_in_dim3A_0 {strides = array<i32>} : memref<1024x128xf32, #tpu.memory_space<vmem>>, vector<1024x128xf32>,
    %swap3A_9 = arith.constant 0 : index
    %swap3A_10 = arith.constant 0 : index
    %swap3A_11 = vector.load %arg14[%swap3A_9, %swap3A_10] : memref<1024x128xf32, #tpu.memory_space<vmem>>, vector<1024x128xf32>
    tpu.vector_store %arg14[%swap3A_9, %swap3A_10], %broadcast_in_dim3A_0 {strides = array<i32>} : memref<1024x128xf32, #tpu.memory_space<vmem>>, vector<1024x128xf32>,
    %scan3A = arith.constant 0 : i32
    %scan3A_12 = arith.constant 20 : i32
    %scan3A_13 = arith.addi %scan3A, %scan3A_12 : i32
    %scan3A_14 = arith.constant 1 : i32
    scf.for %scan3A_56 = %scan3A to %scan3A_13 step %scan3A_14  : i32 {
      %get3A_57 = arith.index_cast %scan3A_56 : i32 to index
      %get3A_58 = arith.constant 0 : index
      %get3A_59 = arith.constant 0 : index
      %get3A_60 = vector.load %arg0[%get3A_57, %get3A_58, %get3A_59] : memref<20x1024x32xf32, #tpu.memory_space<vmem>>, vector<1x1024x32xf32>
      %get3A_61 = vector.shape_cast %get3A_60 : vector<1x1024x32xf32> to vector<1024x32xf32>
      %get3A_62 = arith.constant 0 : index
      %get3A_63 = arith.constant 0 : index
      %get3A_64 = vector.load %arg11[%get3A_62, %get3A_63] : memref<1024x128xf32, #tpu.memory_space<vmem>>, vector<1024x128xf32>
      %concatenate3A = tpu.concatenate %get3A_61, %get3A_64 in 1 : vector<1024x32xf32>, vector<1024x128xf32> -> vector<1024x160xf32>
      %get3A_65 = arith.constant 0 : index
      %get3A_66 = arith.constant 0 : index
      %get3A_67 = vector.load %arg1[%get3A_65, %get3A_66] : memref<160x512xf32, #tpu.memory_space<vmem>>, vector<160x512xf32>
      %dot_general3A_68 = arith.constant dense<0.000000e+00> : vector<1024x512xf32>
      %dot_general3A_69 = tpu.matmul %concatenate3A, %get3A_67, %dot_general3A_68 {dimension_numbers = #tpu.dot_dimension_numbers<[1], [0], [0], [1], [0, 0, 1, 1], [], []>, transpose_lhs_hint = false} : vector<1024x160xf32>, vector<160x512xf32>, vector<1024x512xf32> -> vector<1024x512xf32>
      %get3A_70 = arith.constant 0 : index
      %get3A_71 = arith.constant 0 : index
      %get3A_72 = vector.load %arg3[%get3A_70, %get3A_71] : memref<1x512xf32, #tpu.memory_space<vmem>>, vector<1x512xf32>
      %add3A_73 = vector.broadcast %get3A_72 : vector<1x512xf32> to vector<1024x512xf32>
      %add3A_74 = arith.addf %dot_general3A_69, %add3A_73 : vector<1024x512xf32>
      %slice3A = vector.extract_strided_slice %add3A_74 {offsets = [0, 0], sizes = [1024, 128], strides = [1, 1]} : vector<1024x512xf32> to vector<1024x128xf32>
      %mul3A = arith.constant 5.000000e-01 : f32
      %mul3A_75 = vector.broadcast %mul3A : f32 to vector<1024x128xf32>
      %mul3A_76 = arith.mulf %mul3A_75, %slice3A : vector<1024x128xf32>
      %tanh3A = math.tanh %mul3A_76 : vector<1024x128xf32>
      %mul3A_77 = arith.constant 5.000000e-01 : f32
      %mul3A_78 = vector.broadcast %mul3A_77 : f32 to vector<1024x128xf32>
      %mul3A_79 = arith.mulf %mul3A_78, %tanh3A : vector<1024x128xf32>
      %add3A_80 = arith.constant 5.000000e-01 : f32
      %add3A_81 = vector.broadcast %add3A_80 : f32 to vector<1024x128xf32>
      %add3A_82 = arith.addf %add3A_81, %mul3A_79 : vector<1024x128xf32>
      %slice3A_83 = vector.extract_strided_slice %add3A_74 {offsets = [0, 128], sizes = [1024, 128], strides = [1, 1]} : vector<1024x512xf32> to vector<1024x128xf32>
      %mul3A_84 = arith.constant 5.000000e-01 : f32
      %mul3A_85 = vector.broadcast %mul3A_84 : f32 to vector<1024x128xf32>
      %mul3A_86 = arith.mulf %mul3A_85, %slice3A_83 : vector<1024x128xf32>
      %tanh3A_87 = math.tanh %mul3A_86 : vector<1024x128xf32>
      %mul3A_88 = arith.constant 5.000000e-01 : f32
      %mul3A_89 = vector.broadcast %mul3A_88 : f32 to vector<1024x128xf32>
      %mul3A_90 = arith.mulf %mul3A_89, %tanh3A_87 : vector<1024x128xf32>
      %add3A_91 = arith.constant 5.000000e-01 : f32
      %add3A_92 = vector.broadcast %add3A_91 : f32 to vector<1024x128xf32>
      %add3A_93 = arith.addf %add3A_92, %mul3A_90 : vector<1024x128xf32>
      %slice3A_94 = vector.extract_strided_slice %add3A_74 {offsets = [0, 256], sizes = [1024, 128], strides = [1, 1]} : vector<1024x512xf32> to vector<1024x128xf32>
      %tanh3A_95 = math.tanh %slice3A_94 : vector<1024x128xf32>
      %slice3A_96 = vector.extract_strided_slice %add3A_74 {offsets = [0, 384], sizes = [1024, 128], strides = [1, 1]} : vector<1024x512xf32> to vector<1024x128xf32>
      %mul3A_97 = arith.constant 5.000000e-01 : f32
      %mul3A_98 = vector.broadcast %mul3A_97 : f32 to vector<1024x128xf32>
      %mul3A_99 = arith.mulf %mul3A_98, %slice3A_96 : vector<1024x128xf32>
      %tanh3A_100 = math.tanh %mul3A_99 : vector<1024x128xf32>
      %mul3A_101 = arith.constant 5.000000e-01 : f32
      %mul3A_102 = vector.broadcast %mul3A_101 : f32 to vector<1024x128xf32>
      %mul3A_103 = arith.mulf %mul3A_102, %tanh3A_100 : vector<1024x128xf32>
      %add3A_104 = arith.constant 5.000000e-01 : f32
      %add3A_105 = vector.broadcast %add3A_104 : f32 to vector<1024x128xf32>
      %add3A_106 = arith.addf %add3A_105, %mul3A_103 : vector<1024x128xf32>
      %get3A_107 = arith.constant 0 : index
      %get3A_108 = arith.constant 0 : index
      %get3A_109 = vector.load %arg12[%get3A_107, %get3A_108] : memref<1024x128xf32, #tpu.memory_space<vmem>>, vector<1024x128xf32>
      %mul3A_110 = arith.mulf %add3A_93, %get3A_109 : vector<1024x128xf32>
      %mul3A_111 = arith.mulf %add3A_82, %tanh3A_95 : vector<1024x128xf32>
      %add3A_112 = arith.addf %mul3A_110, %mul3A_111 : vector<1024x128xf32>
      %tanh3A_113 = math.tanh %add3A_112 : vector<1024x128xf32>
      %mul3A_114 = arith.mulf %add3A_106, %tanh3A_113 : vector<1024x128xf32>
      %swap3A_115 = arith.constant 0 : index
      %swap3A_116 = arith.constant 0 : index
      %swap3A_117 = vector.load %arg12[%swap3A_115, %swap3A_116] : memref<1024x128xf32, #tpu.memory_space<vmem>>, vector<1024x128xf32>
      tpu.vector_store %arg12[%swap3A_115, %swap3A_116], %add3A_112 {strides = array<i32>} : memref<1024x128xf32, #tpu.memory_space<vmem>>, vector<1024x128xf32>,
      %swap3A_118 = arith.constant 0 : index
      %swap3A_119 = arith.constant 0 : index
      %swap3A_120 = vector.load %arg11[%swap3A_118, %swap3A_119] : memref<1024x128xf32, #tpu.memory_space<vmem>>, vector<1024x128xf32>
      tpu.vector_store %arg11[%swap3A_118, %swap3A_119], %mul3A_114 {strides = array<i32>} : memref<1024x128xf32, #tpu.memory_space<vmem>>, vector<1024x128xf32>,
      %sub3A = arith.constant 19 : i32
      %sub3A_121 = arith.subi %sub3A, %scan3A_56 : i32
      %get3A_122 = arith.index_cast %sub3A_121 : i32 to index
      %get3A_123 = arith.constant 0 : index
      %get3A_124 = arith.constant 0 : index
      %get3A_125 = vector.load %arg0[%get3A_122, %get3A_123, %get3A_124] : memref<20x1024x32xf32, #tpu.memory_space<vmem>>, vector<1x1024x32xf32>
      %get3A_126 = vector.shape_cast %get3A_125 : vector<1x1024x32xf32> to vector<1024x32xf32>
      %get3A_127 = arith.constant 0 : index
      %get3A_128 = arith.constant 0 : index
      %get3A_129 = vector.load %arg13[%get3A_127, %get3A_128] : memref<1024x128xf32, #tpu.memory_space<vmem>>, vector<1024x128xf32>
      %concatenate3A_130 = tpu.concatenate %get3A_126, %get3A_129 in 1 : vector<1024x32xf32>, vector<1024x128xf32> -> vector<1024x160xf32>
      %get3A_131 = arith.constant 0 : index
      %get3A_132 = arith.constant 0 : index
      %get3A_133 = vector.load %arg2[%get3A_131, %get3A_132] : memref<160x512xf32, #tpu.memory_space<vmem>>, vector<160x512xf32>
      %dot_general3A_134 = arith.constant dense<0.000000e+00> : vector<1024x512xf32>
      %dot_general3A_135 = tpu.matmul %concatenate3A_130, %get3A_133, %dot_general3A_134 {dimension_numbers = #tpu.dot_dimension_numbers<[1], [0], [0], [1], [0, 0, 1, 1], [], []>, transpose_lhs_hint = false} : vector<1024x160xf32>, vector<160x512xf32>, vector<1024x512xf32> -> vector<1024x512xf32>
      %get3A_136 = arith.constant 0 : index
      %get3A_137 = arith.constant 0 : index
      %get3A_138 = vector.load %arg4[%get3A_136, %get3A_137] : memref<1x512xf32, #tpu.memory_space<vmem>>, vector<1x512xf32>
      %add3A_139 = vector.broadcast %get3A_138 : vector<1x512xf32> to vector<1024x512xf32>
      %add3A_140 = arith.addf %dot_general3A_135, %add3A_139 : vector<1024x512xf32>
      %slice3A_141 = vector.extract_strided_slice %add3A_140 {offsets = [0, 0], sizes = [1024, 128], strides = [1, 1]} : vector<1024x512xf32> to vector<1024x128xf32>
      %mul3A_142 = arith.constant 5.000000e-01 : f32
      %mul3A_143 = vector.broadcast %mul3A_142 : f32 to vector<1024x128xf32>
      %mul3A_144 = arith.mulf %mul3A_143, %slice3A_141 : vector<1024x128xf32>
      %tanh3A_145 = math.tanh %mul3A_144 : vector<1024x128xf32>
      %mul3A_146 = arith.constant 5.000000e-01 : f32
      %mul3A_147 = vector.broadcast %mul3A_146 : f32 to vector<1024x128xf32>
      %mul3A_148 = arith.mulf %mul3A_147, %tanh3A_145 : vector<1024x128xf32>
      %add3A_149 = arith.constant 5.000000e-01 : f32
      %add3A_150 = vector.broadcast %add3A_149 : f32 to vector<1024x128xf32>
      %add3A_151 = arith.addf %add3A_150, %mul3A_148 : vector<1024x128xf32>
      %slice3A_152 = vector.extract_strided_slice %add3A_140 {offsets = [0, 128], sizes = [1024, 128], strides = [1, 1]} : vector<1024x512xf32> to vector<1024x128xf32>
      %mul3A_153 = arith.constant 5.000000e-01 : f32
      %mul3A_154 = vector.broadcast %mul3A_153 : f32 to vector<1024x128xf32>
      %mul3A_155 = arith.mulf %mul3A_154, %slice3A_152 : vector<1024x128xf32>
      %tanh3A_156 = math.tanh %mul3A_155 : vector<1024x128xf32>
      %mul3A_157 = arith.constant 5.000000e-01 : f32
      %mul3A_158 = vector.broadcast %mul3A_157 : f32 to vector<1024x128xf32>
      %mul3A_159 = arith.mulf %mul3A_158, %tanh3A_156 : vector<1024x128xf32>
      %add3A_160 = arith.constant 5.000000e-01 : f32
      %add3A_161 = vector.broadcast %add3A_160 : f32 to vector<1024x128xf32>
      %add3A_162 = arith.addf %add3A_161, %mul3A_159 : vector<1024x128xf32>
      %slice3A_163 = vector.extract_strided_slice %add3A_140 {offsets = [0, 256], sizes = [1024, 128], strides = [1, 1]} : vector<1024x512xf32> to vector<1024x128xf32>
      %tanh3A_164 = math.tanh %slice3A_163 : vector<1024x128xf32>
      %slice3A_165 = vector.extract_strided_slice %add3A_140 {offsets = [0, 384], sizes = [1024, 128], strides = [1, 1]} : vector<1024x512xf32> to vector<1024x128xf32>
      %mul3A_166 = arith.constant 5.000000e-01 : f32
      %mul3A_167 = vector.broadcast %mul3A_166 : f32 to vector<1024x128xf32>
      %mul3A_168 = arith.mulf %mul3A_167, %slice3A_165 : vector<1024x128xf32>
      %tanh3A_169 = math.tanh %mul3A_168 : vector<1024x128xf32>
      %mul3A_170 = arith.constant 5.000000e-01 : f32
      %mul3A_171 = vector.broadcast %mul3A_170 : f32 to vector<1024x128xf32>
      %mul3A_172 = arith.mulf %mul3A_171, %tanh3A_169 : vector<1024x128xf32>
      %add3A_173 = arith.constant 5.000000e-01 : f32
      %add3A_174 = vector.broadcast %add3A_173 : f32 to vector<1024x128xf32>
      %add3A_175 = arith.addf %add3A_174, %mul3A_172 : vector<1024x128xf32>
      %get3A_176 = arith.constant 0 : index
      %get3A_177 = arith.constant 0 : index
      %get3A_178 = vector.load %arg14[%get3A_176, %get3A_177] : memref<1024x128xf32, #tpu.memory_space<vmem>>, vector<1024x128xf32>
      %mul3A_179 = arith.mulf %add3A_162, %get3A_178 : vector<1024x128xf32>
      %mul3A_180 = arith.mulf %add3A_151, %tanh3A_164 : vector<1024x128xf32>
      %add3A_181 = arith.addf %mul3A_179, %mul3A_180 : vector<1024x128xf32>
      %tanh3A_182 = math.tanh %add3A_181 : vector<1024x128xf32>
      %mul3A_183 = arith.mulf %add3A_175, %tanh3A_182 : vector<1024x128xf32>
      %swap3A_184 = arith.constant 0 : index
      %swap3A_185 = arith.constant 0 : index
      %swap3A_186 = vector.load %arg14[%swap3A_184, %swap3A_185] : memref<1024x128xf32, #tpu.memory_space<vmem>>, vector<1024x128xf32>
      tpu.vector_store %arg14[%swap3A_184, %swap3A_185], %add3A_181 {strides = array<i32>} : memref<1024x128xf32, #tpu.memory_space<vmem>>, vector<1024x128xf32>,
      %swap3A_187 = arith.constant 0 : index
      %swap3A_188 = arith.constant 0 : index
      %swap3A_189 = vector.load %arg13[%swap3A_187, %swap3A_188] : memref<1024x128xf32, #tpu.memory_space<vmem>>, vector<1024x128xf32>
      tpu.vector_store %arg13[%swap3A_187, %swap3A_188], %mul3A_183 {strides = array<i32>} : memref<1024x128xf32, #tpu.memory_space<vmem>>, vector<1024x128xf32>,
      %eq3A = arith.constant 0 : i32
      %eq3A_190 = arith.cmpi eq, %scan3A_56, %eq3A : i32
      %convert_element_type3A = arith.extui %eq3A_190 : i1 to i32
      %cond3A = arith.constant 0 : i32
      %cond3A_191 = arith.cmpi ne, %convert_element_type3A, %cond3A : i32
      scf.if %cond3A_191 {
        %swap3A_192 = arith.constant 0 : index
        %swap3A_193 = arith.constant 0 : index
        %swap3A_194 = vector.load %arg15[%swap3A_192, %swap3A_193] : memref<1024x128xf32, #tpu.memory_space<vmem>>, vector<1024x128xf32>
        tpu.vector_store %arg15[%swap3A_192, %swap3A_193], %mul3A_114 {strides = array<i32>} : memref<1024x128xf32, #tpu.memory_space<vmem>>, vector<1024x128xf32>,
        %swap3A_195 = arith.constant 0 : index
        %swap3A_196 = arith.constant 0 : index
        %swap3A_197 = vector.load %arg16[%swap3A_195, %swap3A_196] : memref<1024x128xf32, #tpu.memory_space<vmem>>, vector<1024x128xf32>
        tpu.vector_store %arg16[%swap3A_195, %swap3A_196], %mul3A_183 {strides = array<i32>} : memref<1024x128xf32, #tpu.memory_space<vmem>>, vector<1024x128xf32>,
      } else {
      }
    }
    %scan3A_15 = arith.constant 20 : i32
    %get3A = arith.constant 0 : index
    %get3A_16 = arith.constant 0 : index
    %get3A_17 = vector.load %arg15[%get3A, %get3A_16] : memref<1024x128xf32, #tpu.memory_space<vmem>>, vector<1024x128xf32>
    %get3A_18 = arith.constant 0 : index
    %get3A_19 = arith.constant 0 : index
    %get3A_20 = vector.load %arg11[%get3A_18, %get3A_19] : memref<1024x128xf32, #tpu.memory_space<vmem>>, vector<1024x128xf32>
    %add3A = arith.addf %get3A_17, %get3A_20 : vector<1024x128xf32>
    %get3A_21 = arith.constant 0 : index
    %get3A_22 = arith.constant 0 : index
    %get3A_23 = vector.load %arg16[%get3A_21, %get3A_22] : memref<1024x128xf32, #tpu.memory_space<vmem>>, vector<1024x128xf32>
    %get3A_24 = arith.constant 0 : index
    %get3A_25 = arith.constant 0 : index
    %get3A_26 = vector.load %arg13[%get3A_24, %get3A_25] : memref<1024x128xf32, #tpu.memory_space<vmem>>, vector<1024x128xf32>
    %add3A_27 = arith.addf %get3A_23, %get3A_26 : vector<1024x128xf32>
    %get3A_28 = arith.constant 0 : index
    %get3A_29 = arith.constant 0 : index
    %get3A_30 = vector.load %arg5[%get3A_28, %get3A_29] : memref<128x128xf32, #tpu.memory_space<vmem>>, vector<128x128xf32>
    %dot_general3A = arith.constant dense<0.000000e+00> : vector<1024x128xf32>
    %dot_general3A_31 = tpu.matmul %add3A, %get3A_30, %dot_general3A {dimension_numbers = #tpu.dot_dimension_numbers<[1], [0], [0], [1], [0, 0, 1, 1], [], []>, transpose_lhs_hint = false} : vector<1024x128xf32>, vector<128x128xf32>, vector<1024x128xf32> -> vector<1024x128xf32>
    %get3A_32 = arith.constant 0 : index
    %get3A_33 = arith.constant 0 : index
    %get3A_34 = vector.load %arg6[%get3A_32, %get3A_33] : memref<128x128xf32, #tpu.memory_space<vmem>>, vector<128x128xf32>
    %dot_general3A_35 = arith.constant dense<0.000000e+00> : vector<1024x128xf32>
    %dot_general3A_36 = tpu.matmul %add3A_27, %get3A_34, %dot_general3A_35 {dimension_numbers = #tpu.dot_dimension_numbers<[1], [0], [0], [1], [0, 0, 1, 1], [], []>, transpose_lhs_hint = false} : vector<1024x128xf32>, vector<128x128xf32>, vector<1024x128xf32> -> vector<1024x128xf32>
    %add3A_37 = arith.addf %dot_general3A_31, %dot_general3A_36 : vector<1024x128xf32>
    %get3A_38 = arith.constant 0 : index
    %get3A_39 = arith.constant 0 : index
    %get3A_40 = vector.load %arg7[%get3A_38, %get3A_39] : memref<1x128xf32, #tpu.memory_space<vmem>>, vector<1x128xf32>
    %add3A_41 = vector.broadcast %get3A_40 : vector<1x128xf32> to vector<1024x128xf32>
    %add3A_42 = arith.addf %add3A_37, %add3A_41 : vector<1024x128xf32>
    %get3A_43 = arith.constant 0 : index
    %get3A_44 = arith.constant 0 : index
    %get3A_45 = vector.load %arg8[%get3A_43, %get3A_44] : memref<128x4xf32, #tpu.memory_space<vmem>>, vector<128x4xf32>
    %dot_general3A_46 = arith.constant dense<0.000000e+00> : vector<1024x4xf32>
    %dot_general3A_47 = tpu.matmul %add3A_42, %get3A_45, %dot_general3A_46 {dimension_numbers = #tpu.dot_dimension_numbers<[1], [0], [0], [1], [0, 0, 1, 1], [], []>, transpose_lhs_hint = false} : vector<1024x128xf32>, vector<128x4xf32>, vector<1024x4xf32> -> vector<1024x4xf32>
    %get3A_48 = arith.constant 0 : index
    %get3A_49 = arith.constant 0 : index
    %get3A_50 = vector.load %arg9[%get3A_48, %get3A_49] : memref<1x4xf32, #tpu.memory_space<vmem>>, vector<1x4xf32>
    %add3A_51 = vector.broadcast %get3A_50 : vector<1x4xf32> to vector<1024x4xf32>
    %add3A_52 = arith.addf %dot_general3A_47, %add3A_51 : vector<1024x4xf32>
    %swap3A_53 = arith.constant 0 : index
    %swap3A_54 = arith.constant 0 : index
    %swap3A_55 = vector.load %arg10[%swap3A_53, %swap3A_54] : memref<1024x4xf32, #tpu.memory_space<vmem>>, vector<1024x4xf32>
    tpu.vector_store %arg10[%swap3A_53, %swap3A_54], %add3A_52 {strides = array<i32>} : memref<1024x4xf32, #tpu.memory_space<vmem>>, vector<1024x4xf32>,
    return
  }
}

</mosaic_0001>

<sc_bundles>
// kernel: kernel.4.cloned.1.call-start
scs
__scs_entry_jumppad:
0x0: {  	(pc) =	sbr.rel $0x88, $3  }
0x1: {  	(tag) =	ssettag $0x0;
	lr =	simm.s32 $0x1  }
0x2: {  	[smem:$0x3F93] =	sst lr;
	_ =	strace $0xD0000000  }
0x3: {  	_ = 	snop  }
0x4: {  	_ = 	snop  }
0x5: {  	_ = 	snop  }
0x6: {  	_ = 	snop  }
0x7: {  	_ = 	snop  }
__scs_overlays_trampoline_lowered:
0x8: {  	[smem:$0x3FA2] =	sst s0  }
0x9: {  	[smem:$0x3FA3] =	sst s1  }
0xa: {  	[smem:$0x3FA4] =	sst s2  }
0xb: {  	[smem:$0x3FA5] =	sst s3  }
0xc: {  	[smem:$0x3FA6] =	sst s4  }
0xd: {  	[smem:$0x3FA7] =	sst s5  }
0xe: {  	[smem:$0x3FA8] =	sst s6  }
0xf: {  	[smem:$0x3FA9] =	sst s7  }
0x10: {  	[smem:$0x3FAA] =	sst s8  }
0x11: {  	[smem:$0x3FAB] =	sst s9;
	s0 =	simm.s32 @!p0 $0x0  }
0x12: {  	s1 =	sld [smem:$0x3F91];
	s0 =	simm.s32 @p0 $0x1  }
0x13: {  	[smem:$0x3FAC] =	sst s0;
	s0 =	simm.s32 @!p1 $0x0  }
0x14: {  	s2 =	sld [smem:$0x3F90];
	s0 =	simm.s32 @p1 $0x1  }
0x15: {  	[smem:$0x3FAD] =	sst s0;
	s0 =	simm.s32 @!p2 $0x0  }
0x16: {  	s3 =	sld [smem:$0x3FDB];
	s0 =	simm.s32 @p2 $0x1  }
0x17: {  	s4 =	simm.s32 $0x1BF5;
	[smem:$0x3FAF] =	sst s0  }
0x18: {  	s0 =	sld [smem:$0x3F92];
	_ =	swait.ge [sflag:s4], $0x0  }
0x19: {  	s7 =	sld [smem:$0x3F93]  }
0x1a: {  	s8 =	sadd.s32 $0xFFFFE003, lr  }
0x1b: {  	s9 =	sadd.s32 $0xFFFFFEF7, lr;
	s5 =	simm.s32 $0xFFFFFFFF;
	p2 =	slt.u32 s8, $0xFFFFF086  }
0x1c: {  	p1 =	slt.u32 s9, $0xF7A;
	s5 =	simm.s32 @!p2 $0x0  }
0x1d: {  	s5 =	simm.s32 @p1 $0x1;
	p0 =	seq.s32 s7, s2  }
0x1e: {  	s7 =	smul.u32 @!p0 $0xF7A, s2;
	p2 =	seq.s32 @!p0 s5, $0x0  }
0x1f: {  	s9 =	smul.u32 $0xF7A, s1;
	s8 =	simm.s32 @!p0 $0x1BF5;
	p2 =	por !p2, p0  }
0x20: {  	[sflag:s8] =	ssyncset.s32 @!p0 $0xFFFFF086;
	s6 =	sadd.s32 @!p0 s3, s7;
	s7 =	simm.s32 @!p0 $0x108  }
0x21: {  	s3 =	sadd.s32 s3, s9;
	s6 =	sadd.s32 @!p0 $0x88, s6;
	s7 =	simm.s32 @p2 $0x1082  }
0x22: {  	[simem:s7], [sflag:s8] =	dma.local @!p0 [hbm:s6], $0xF7A  }
0x23: {  	s9 =	sor.u32 $0xD0000000, s2;
	s6 =	simm.s32 $0x108;
	_ =	swait.ge @!p0 [sflag:s8], $0x0  }
0x24: {  	s3 =	sadd.s32 $0x88, s3;
	s6 =	simm.s32 @!p1 $0x1082;
	[sflag:s4] =	ssyncset.s32 $0xFFFFF086  }
0x25: {  	[simem:s6], [sflag:s4] =	dma.local [hbm:s3], $0xF7A  }
0x26: {  	[smem:$0x3F93] =	sst s1;
	(tag) =	ssettag s2;
	_ =	strace s9  }
0x27: {  	s1 =	sld [smem:$0x3FA3]  }
0x28: {  	s2 =	sld [smem:$0x3FA4]  }
0x29: {  	s4 =	sld [smem:$0x3FA6]  }
0x2a: {  	p0 =	seq.s32 s5, $0x0;
	s5 =	sld [smem:$0x3FA7]  }
0x2b: {  	s6 =	sld [smem:$0x3FA8]  }
0x2c: {  	s7 =	sld [smem:$0x3FA9]  }
0x2d: {  	s3 =	simm.s32 $0x108;
	s8 =	sld [smem:$0x3FAA]  }
0x2e: {  	s3 =	simm.s32 @!p0 $0x1082;
	s9 =	sld [smem:$0x3FAB]  }
0x2f: {  	lr =	sadd.s32 s0, s3;
	s0 =	sld [smem:$0x3FA2]  }
0x30: {  	s3 =	sld [smem:$0x3FA5]  }
0x31: {  	[smem:$0x3FAE] =	sst s10  }
0x32: {  	s10 =	sld [smem:$0x3FAC];
	_ =	sdelay $0x3  }
0x33: {  	p0 =	seq.s32 s10, $0x1;
	s10 =	sld [smem:$0x3FAE];
	_ =	sdelay $0x3  }
0x34: {  	[smem:$0x3FAE] =	sst s10  }
0x35: {  	s10 =	sld [smem:$0x3FAD];
	_ =	sdelay $0x3  }
0x36: {  	p1 =	seq.s32 s10, $0x1;
	s10 =	sld [smem:$0x3FAE];
	_ =	sdelay $0x3  }
0x37: {  	[smem:$0x3FAE] =	sst s10  }
0x38: {  	s10 =	sld [smem:$0x3FAF]  }
0x39: {  	_ = 	snop;
	(pc) =	sbr.ind lr, $3  }
0x3a: {  	_ = 	snop  }
0x3b: {  	_ = 	snop  }
0x3c: {  	p2 =	seq.s32 s10, $0x1;
	s10 =	sld [smem:$0x3FAE]  }
0x3d: {  	_ =	shalt  }
0x3e: {  	_ =	shalt  }
0x3f: {  	_ =	shalt  }
0x40: {  	_ =	shalt  }
0x41: {  	_ =	shalt  }
0x42: {  	_ =	shalt  }
0x43: {  	_ =	shalt  }
0x44: {  	_ =	shalt  }
0x45: {  	_ =	shalt  }
0x46: {  	_ =	shalt  }
0x47: {  	_ =	shalt  }
0x48: {  	_ =	shalt  }
0x49: {  	_ =	shalt  }
0x4a: {  	_ =	shalt  }
0x4b: {  	_ =	shalt  }
0x4c: {  	_ =	shalt  }
0x4d: {  	_ =	shalt  }
0x4e: {  	_ =	shalt  }
0x4f: {  	_ =	shalt  }
0x50: {  	_ =	shalt  }
0x51: {  	_ =	shalt  }
0x52: {  	_ =	shalt  }
0x53: {  	_ =	shalt  }
0x54: {  	_ =	shalt  }
0x55: {  	_ =	shalt  }
0x56: {  	_ =	shalt  }
0x57: {  	_ =	shalt  }
0x58: {  	_ =	shalt  }
0x59: {  	_ =	shalt  }
0x5a: {  	_ =	shalt  }
0x5b: {  	_ =	shalt  }
0x5c: {  	_ =	shalt  }
0x5d: {  	_ =	shalt  }
0x5e: {  	_ =	shalt  }
0x5f: {  	_ =	shalt  }
0x60: {  	_ =	shalt  }
0x61: {  	_ =	shalt  }
0x62: {  	_ =	shalt  }
0x63: {  	_ =	shalt  }
0x64: {  	_ =	shalt  }
0x65: {  	_ =	shalt  }
0x66: {  	_ =	shalt  }
0x67: {  	_ =	shalt  }
0x68: {  	_ =	shalt  }
0x69: {  	_ =	shalt  }
0x6a: {  	_ =	shalt  }
0x6b: {  	_ =	shalt  }
0x6c: {  	_ =	shalt  }
0x6d: {  	_ =	shalt  }
0x6e: {  	_ =	shalt  }
0x6f: {  	_ =	shalt  }
0x70: {  	_ =	shalt  }
0x71: {  	_ =	shalt  }
0x72: {  	_ =	shalt  }
0x73: {  	_ =	shalt  }
0x74: {  	_ =	shalt  }
0x75: {  	_ =	shalt  }
0x76: {  	_ =	shalt  }
0x77: {  	_ =	shalt  }
0x78: {  	_ =	shalt  }
0x79: {  	_ =	shalt  }
0x7a: {  	_ =	shalt  }
0x7b: {  	_ =	shalt  }
0x7c: {  	_ =	shalt  }
0x7d: {  	_ =	shalt  }
0x7e: {  	_ =	shalt  }
0x7f: {  	_ =	shalt  }
0x80: {  	_ =	shalt  }
0x81: {  	_ =	shalt  }
0x82: {  	_ =	shalt  }
0x83: {  	_ =	shalt  }
0x84: {  	_ =	shalt  }
0x85: {  	_ =	shalt  }
0x86: {  	_ =	shalt  }
0x87: {  	_ =	shalt  }
.Lfunc_end0:
.L_simem_size_0:
called_computation_lowered:
.L_overlay_start_0:
0x88: {  	s2 =	sld [smem:$0x3FD9]  }
0x89: {  	s3 =	sld [smem:$0x3FFE];
	_ =	sdelay $0x1  }
0x8a: {  	s1 =	srdreg.scid  }
0x8b: {  	s0 =	sand.u32 $0x1, s1  }
0x8c: {  	s17 =	sshll.u32 s0, $0xA;
	s2 =	sadd.s32 s3, s2  }
0x8d: {  	s2 =	sadd.s32 s2, s17  }
0x8e: {  	[smem:$0x3FBA] =	sst s2  }
0x8f: {  	_ = 	snop  }
0x90: {  	s2 =	sld [smem:$0x3FC8];
	(tm) =	ssettm $0x1  }
0x91: {  	s18 =	sld [smem:$0x3FFB];
	_ =	sdelay $0x3  }
0x92: {  	_ =	strace s18  }
0x93: {  	s3 =	sld [smem:$0x3FFC];
	_ =	sdelay $0x3  }
0x94: {  	_ =	strace s3  }
0x95: {  	s3 =	sld [smem:$0x3FFD];
	_ =	sdelay $0x3  }
0x96: {  	_ =	strace s3  }
0x97: {  	_ =	strace $0x8FFFFFFF  }
0x98: {  	s19 =	sld [smem:$0x3FDB];
	_ =	sdelay $0x1  }
0x99: {  	s4 =	simm.s32 $_scs_section_size  }
0x9a: {  	s5 =	simm.s32 $_size__tile_overlayer_lowered;
	s6 =	simm.s32 $_tile_overlayer_lowered  }
0x9b: {  	s22 =	simm.s32 $0x1BFF;
	s21 =	sshll.u32 s6, $0x1;
	s3 =	sadd.s32 s4, s19  }
0x9c: {  	s7 =	simm.s32 $0x0;
	s20 =	sshll.u32 s5, $0x1;
	s5 =	sadd.s32 s21, s3  }
0x9d: {  	[timem:s7], [sflag:s22] =	dma.local [hbm:s5], s20  }
0x9e: {  	_ =	swait.ge [sflag:s22], s20  }
0x9f: {  	s4 =	ssub.s32 $0x0, s20;
	[sflag:s22] =	ssyncset.done $0x0  }
0xa0: {  	[sflag:s22] =	ssyncadd.s32 s4;
	_ =	sdelay $0x1  }
0xa1: {  	s23 =	simm.s32 $0x1B8B  }
0xa2: {  	_ =	swait.ge [sflag:s23], $0x1  }
0xa3: {  	[sflag:s23] =	ssyncset.done $0x0  }
0xa4: {  	s25 =	simm.s32 $0x1B8E;
	s24 =	sld [smem:$0x3FFE];
	[sflag:s23] =	ssyncadd.s32 $0xFFFFFFFF  }
0xa5: {  	s26 =	simm.s32 $execute0_lowered;
	[smem:$0x3FD2] =	sst s25  }
0xa6: {  	s5 =	sshll.u32 s26, $0x1;
	_ =	strace $0x80000046;
	[dreg:$0x1] =	wrdreg $0xFFFFFFFF  }
0xa7: {  	s28 =	simm.s32 $_size_execute0_lowered;
	s3 =	sadd.s32 s3, s5;
	[dreg:$0x0] =	wrdreg $0x0  }
0xa8: {  	s5 =	sshll.u32 s28, $0x1;
	[dreg:$0x2] =	wrdreg s3  }
0xa9: {  	[dreg:$0x3] =	wrdreg s5  }
0xaa: {  	[dreg:$0x4] =	wrdreg $0xC0  }
0xab: {  	_ =	task [dreg:s7], $0x5FFFF  }
0xac: {  	[dreg:$0x1] =	wrdreg $0xFFFFFFFF  }
0xad: {  	[dreg:$0x0] =	wrdreg $0x60  }
0xae: {  	[dreg:$0x2] =	wrdreg s24  }
0xaf: {  	[dreg:$0x3] =	wrdreg s2  }
0xb0: {  	[dreg:$0x4] =	wrdreg $0x9  }
0xb1: {  	_ =	task.clear_ibuf [dreg:s7], $0x5FFFF;
	_ =	strace $0x90000046  }
0xb2: {  	s29 =	simm.s32 $0x9;
	_ =	strace $0x80000048  }
0xb3: {  	_ =	swait.ge [sflag:s29], $0x1  }
0xb4: {  	[sflag:s29] =	ssyncadd.s32 $0xFFFFFFFF  }
0xb5: {  	_ =	strace $0x90000048  }
0xb6: {  	_ =	sfence  }
0xb7: {  	s30 =	sld [smem:$0x0];
	_ =	sdelay $0x2  }
0xb8: {  	s31 =	sshll.u32 s1, $0xD;
	s1 =	sshrl.u32 s1, $0x2  }
0xb9: {  	s3 =	sand.u32 $0x4000, s31;
	s1 =	sadd.s32 s1, s30  }
0xba: {  	s0 =	sor.u32 s3, s0;
	s1 =	sshll.u32 s1, $0x11  }
0xbb: {  	s0 =	sor.u32 s1, s0  }
0xbc: {  	s0 =	sadd.s32 $0x8F2B, s0  }
0xbd: {  	[sflag:s0] =	ssyncadd.remote.s32 $0x1  }
0xbe: {  	_ =	sfence.sel $0xFFFF  }
0xbf: {  	[dreg:$0x0] =	wrdreg $0xFFFFFFFF;
	(pc) =	sbr.abs _section_cstart, $3  }
0xc0: {  	[dreg:$0x1] =	wrdreg $0xFFFFFFFF  }
0xc1: {  	_ =	task.clear_ibuf [dreg:s7], $0x2FFFF;
	_ =	strace $0x9FFFFFFF  }
0xc2: {  	(tm) =	ssettm $0x7FFFFFFF  }
0xc3: {  	_ =	shalt  }
tec
execute0_lowered:
.L_overlay_start_1:
0x0: {  	(tag) =	ssettag $0x1  }
0x1: {  	s4 =	rddreg [dreg:$0x0]  }
0x2: {  	s2 =	rddreg [dreg:$0x1]  }
0x3: {  	s0 =	rddreg [dreg:$0x2];
	s3 =	simm.s32 $0x0  }
0x4: {  	s7 =	simm.s32 $0x2400;
	[smem:$0x7FF] =	sst s3  }
0x5: {  	s17 =	simm.s32 $0x3400;
	_ =	strace $0x80000047;
	[dreg:$0x3] =	wrdreg s7  }
0x6: {  	s18 =	simm.s32 $0x4400;
	[dreg:$0x4] =	wrdreg s17  }
0x7: {  	vm0 =	vmmov $0x1;
	s19 =	simm.s32 $0x5400;
	[dreg:$0x5] =	wrdreg s18  }
0x8: {  	s5 =	srdreg.scid;
	vm1 =	vcmask $0x308;
	vm2 =	vcmask $0x70C;
	vm3 =	vcmask $0xB10;
	s20 =	simm.s32 $0x6400;
	[dreg:$0x6] =	wrdreg s19  }
0x9: {  	s1 =	stileid.u32;
	vm4 =	vcmask $0xF14;
	vm5 =	vcmask $0x1318;
	vm6 =	vcmask $0x171C;
	s21 =	simm.s32 $0x7400;
	[dreg:$0x7] =	wrdreg s20  }
0xa: {  	vm7 =	vcmask $0x1B20;
	vm8 =	vcmask $0x1F24;
	v0 =	vlaneseq.u32;
	s22 =	simm.s32 $0x8400;
	s23 =	simm.s32 $0x9400;
	[dreg:$0x8] =	wrdreg s21  }
0xb: {  	vm9 =	vcmask $0x2328;
	vm10 =	vcmask $0x272C;
	s25 =	simm.s32 $0xA400;
	s26 =	simm.s32 $0xB400;
	v0 =	vmul.u32 $0x80, v0;
	[dreg:$0x9] =	wrdreg s22  }
0xc: {  	vm11 =	vcmask $0x2B30;
	vm12 =	vcmask $0x2F34;
	vm13 =	vcmask $0x3338;
	s28 =	simm.s32 $0xC400;
	s29 =	simm.s32 $0xD400;
	[dreg:$0xa] =	wrdreg s23  }
0xd: {  	vm14 =	vcmask $0x373C;
	vm15 =	vmmov $0x7fff;
	s30 =	simm.s32 $0xE400;
	s31 =	simm.s32 $0xF400;
	[dreg:$0xb] =	wrdreg s25;
	v1 =	vor.u32 $0x800, v0  }
0xe: {  	s11 =	simm.s32 $0x10400;
	s10 =	simm.s32 $0x1400;
	[dreg:$0xc] =	wrdreg s26;
	v2 =	vor.u32 $0x1000, v0;
	v3 =	vor.u32 $0x1800, v0;
	v4 =	vor.u32 $0x2000, v0  }
0xf: {  	s12 =	simm.s32 $0x2;
	s13 =	simm.s32 $0x0;
	[dreg:$0xd] =	wrdreg s28;
	v5 =	vor.u32 $0x2800, v0;
	v6 =	vor.u32 $0x3000, v0;
	v7 =	vor.u32 $0x3800, v0  }
0x10: {  	s5 =	sand.u32 $0x1, s5;
	s6 =	sshll.u32 s1, $0x1;
	[dreg:$0xe] =	wrdreg s29;
	v8 =	vor.u32 $0x4000, v0;
	v9 =	vor.u32 $0x4800, v0;
	v10 =	vor.u32 $0x5000, v0  }
0x11: {  	s8 =	smul.u32 $0x28000, s1;
	s6 =	sor.u32 s5, s6;
	[dreg:$0xf] =	wrdreg s30;
	v11 =	vor.u32 $0x5800, v0;
	v12 =	vor.u32 $0x6000, v0;
	v13 =	vor.u32 $0x6800, v0  }
0x12: {  	s9 =	smul.u32 $0x14000, s5;
	s5 =	ssub.s32 $0x2, s5;
	[dreg:$0x10] =	wrdreg s31;
	v14 =	vor.u32 $0x7000, v0;
	v15 =	vor.u32 $0x7800, v0;
	v16 =	vor.u32 $0x8000, v0  }
0x13: {  	s7 =	simm.s32 $0x3;
	[dreg:$0x11] =	wrdreg s11;
	s11 =	simm.s32 $0x1;
	v17 =	vor.u32 $0x8800, v0;
	v18 =	vor.u32 $0x9000, v0;
	v19 =	vor.u32 $0x9800, v0  }
0x14: {  	s6 =	smul.u32 $0x280, s6;
	s24 =	sshrl.u32 s5, $0x1;
	v20 =	vor.u32 $0xA000, v0;
	v21 =	vor.u32 $0xA800, v0;
	v22 =	vor.u32 $0xB000, v0;
	s8 =	sadd.s32 s9, s8  }
0x15: {  	v23 =	vor.u32 $0xB800, v0;
	v24 =	vor.u32 $0xC000, v0;
	v25 =	vor.u32 $0xC800, v0;
	s5 =	ssub.s32 s5, s24;
	s9 =	simm.s32 $0x7A1400;
	s8 =	sshrl.u32 s8, $0x3  }
0x16: {  	v26 =	vor.u32 $0xD000, v0;
	v27 =	vor.u32 $0xD800, v0;
	v28 =	vor.u32 $0xE000, v0;
	s6 =	sadd.s32 s6, s4;
	s5 =	smax.u32 s5, $0x1;
	s8 =	sadd.s32 s8, s4  }
0x17: {  	v29 =	vor.u32 $0xE800, v0;
	v30 =	vor.u32 $0xF000, v0;
	v31 =	vor.u32 $0xF800, v0;
	s4 =	sadd.s32 $0x2200, s6;
	s6 =	sadd.s32 $0x7200, s8;
	s8 =	simm.s32 $0x400  }
.LBB2_1:
0x18: {  	[tilespmem:s3], [sflag:$0x3] =	stream.linear.gather [hbm4b:s4+s3], $0x1400, $0x38;
	[tilespmem:$0x12400] =	vst v63  }
0x19: {  	_ =	swait.ge [sflag:s7], $0x1400  }
0x1a: {  	s14 =	simm.s32 $0x0;
	s15 =	smov.u32 s6;
	[sflag:s7] =	ssyncset.done $0x0  }
0x1b: {  	s16 =	simm.s32 $0x0;
	s17 =	simm.s32 $0x0;
	[sflag:s7] =	ssyncadd.s32 $0xFFFFEC00  }
.LBB2_2:
0x1c: {  	v32 =	vld [tilespmem:s16+$0x0];
	_ =	sdelay $0x4  }
0x1d: {  	v33 =	vshra.s32 v32, $0x1F  }
0x1e: {  	v33 =	vshrl.u32 v33, $0x19  }
0x1f: {  	v33 =	vadd.s32 v33, v32  }
0x20: {  	v33 =	vand.u32 $0xFFFFFF80, v33  }
0x21: {  	v34 =	vnsel vm0, $0x0, v33  }
0x22: {  	v34 =	vxor.u32 $0x80000000, v34  }
0x23: {  	v58 =	vsel vm1, $0x0, v33;
	(xrf0) =	vmax.scan.msk.u32 $0xffff, v34  }
0x24: {  	v34 =	vxor.u32 $0x80000000, v58  }
0x25: {  	(xrf0) =	vmax.scan.msk.u32 $0xffff, v34;
	_ =	sdelay $0x2  }
0x26: {  	v35 =	vsel vm2, $0x0, v33  }
0x27: {  	v60 =	vxor.u32 $0x80000000, v35;
	v59, _, _ =	vpop (xrf0)  }
0x28: {  	v62 =	vsel vm3, $0x0, v33;
	(xrf0) =	vmax.scan.msk.u32 $0xffff, v60;
	(v2sf) =	vpush v59, $0xF  }
0x29: {  	v63 =	vxor.u32 $0x80000000, v62;
	v61, _, _ =	vpop (xrf0)  }
0x2a: {  	(xrf0) =	vmax.scan.msk.u32 $0xffff, v63;
	(v2sf) =	vpush v61, $0xF;
	_ =	sdelay $0x3  }
0x2b: {  	v37 =	vsel vm4, $0x0, v33;
	v36, _, _ =	vpop (xrf0)  }
0x2c: {  	v38 =	vxor.u32 $0x80000000, v37;
	(v2sf) =	vpush v36, $0xF  }
0x2d: {  	v40 =	vsel vm5, $0x0, v33;
	(xrf0) =	vmax.scan.msk.u32 $0xffff, v38;
	v39, _, _ =	vpop (xrf0)  }
0x2e: {  	v41 =	vxor.u32 $0x80000000, v40;
	(v2sf) =	vpush v39, $0xF  }
0x2f: {  	(xrf0) =	vmax.scan.msk.u32 $0xffff, v41;
	_ =	sdelay $0x2  }
0x30: {  	v43 =	vsel vm6, $0x0, v33  }
0x31: {  	v44 =	vxor.u32 $0x80000000, v43;
	v42, _, _ =	vpop (xrf0)  }
0x32: {  	v46 =	vsel vm7, $0x0, v33;
	(xrf0) =	vmax.scan.msk.u32 $0xffff, v44;
	s18 =	spop (v2sf);
	(v2sf) =	vpush v42, $0xF  }
0x33: {  	v47 =	vxor.u32 $0x80000000, v46;
	v45, _, _ =	vpop (xrf0)  }
0x34: {  	(xrf0) =	vmax.scan.msk.u32 $0xffff, v47;
	s20 =	spop (v2sf);
	(v2sf) =	vpush v45, $0xF;
	_ =	sdelay $0x2  }
0x35: {  	v49 =	vsel vm8, $0x0, v33  }
0x36: {  	v50 =	vxor.u32 $0x80000000, v49;
	s18 =	sand.u32 $0x1FFFFF80, s18;
	v48, _, _ =	vpop (xrf0)  }
0x37: {  	s18 =	sadd.s32 s2, s18;
	(xrf0) =	vmax.scan.msk.u32 $0xffff, v50;
	s21 =	spop (v2sf);
	(v2sf) =	vpush v48, $0xF  }
0x38: {  	v52 =	vsel vm9, $0x0, v33;
	[tilespmem:s10], [sflag:$0x1] =	stream.strided.gather [hbm4b:s18+s8], $0x1000, s9, s8, $0x38;
	v51, _, _ =	vpop (xrf0);
	[tilespmem:$0x12400] =	vst v63  }
0x39: {  	v53 =	vxor.u32 $0x80000000, v52;
	s18 =	sand.u32 $0x1FFFFF80, s20;
	s23 =	spop (v2sf);
	(v2sf) =	vpush v51, $0xF  }
0x3a: {  	s19 =	rddreg [dreg:$0x3];
	(xrf0) =	vmax.scan.msk.u32 $0xffff, v53;
	s18 =	sadd.s32 s2, s18  }
0x3b: {  	[tilespmem:s19], [sflag:$0x1] =	stream.strided.gather [hbm4b:s18+s8], $0x1000, s9, s8, $0x38;
	[tilespmem:$0x12400] =	vst v63  }
0x3c: {  	s18 =	sand.u32 $0x1FFFFF80, s21  }
0x3d: {  	s22 =	rddreg [dreg:$0x4];
	v55 =	vsel vm10, $0x0, v33;
	s18 =	sadd.s32 s2, s18  }
0x3e: {  	v56 =	vxor.u32 $0x80000000, v55;
	v54, _, _ =	vpop (xrf0);
	[tilespmem:s22], [sflag:$0x1] =	stream.strided.gather [hbm4b:s18+s8], $0x1000, s9, s8, $0x38;
	[tilespmem:$0x12400] =	vst v63  }
0x3f: {  	v58 =	vsel vm11, $0x0, v33;
	(xrf0) =	vmax.scan.msk.u32 $0xffff, v56;
	s25 =	spop (v2sf);
	(v2sf) =	vpush v54, $0xF  }
0x40: {  	v59 =	vxor.u32 $0x80000000, v58;
	s18 =	sand.u32 $0x1FFFFF80, s23;
	v57, _, _ =	vpop (xrf0)  }
0x41: {  	s24 =	rddreg [dreg:$0x5];
	(xrf0) =	vmax.scan.msk.u32 $0xffff, v59;
	s18 =	sadd.s32 s2, s18;
	s28 =	spop (v2sf);
	(v2sf) =	vpush v57, $0xF  }
0x42: {  	[tilespmem:s24], [sflag:$0x1] =	stream.strided.gather [hbm4b:s18+s8], $0x1000, s9, s8, $0x38;
	[tilespmem:$0x12400] =	vst v63  }
0x43: {  	s18 =	sand.u32 $0x1FFFFF80, s25  }
0x44: {  	s26 =	rddreg [dreg:$0x6];
	s18 =	sadd.s32 s2, s18  }
0x45: {  	v61 =	vsel vm12, $0x0, v33;
	v60, _, _ =	vpop (xrf0);
	[tilespmem:s26], [sflag:$0x1] =	stream.strided.gather [hbm4b:s18+s8], $0x1000, s9, s8, $0x38;
	[tilespmem:$0x12400] =	vst v63  }
0x46: {  	v62 =	vxor.u32 $0x80000000, v61;
	v36 =	vsel vm13, $0x0, v33;
	s30 =	spop (v2sf);
	(v2sf) =	vpush v60, $0xF  }
0x47: {  	v37 =	vxor.u32 $0x80000000, v36;
	(xrf0) =	vmax.scan.msk.u32 $0xffff, v62;
	v63, _, _ =	vpop (xrf0);
	s18 =	sand.u32 $0x1FFFFF80, s28  }
0x48: {  	s29 =	rddreg [dreg:$0x7];
	(xrf0) =	vmax.scan.msk.u32 $0xffff, v37;
	s18 =	sadd.s32 s2, s18;
	s19 =	spop (v2sf);
	(v2sf) =	vpush v63, $0xF  }
0x49: {  	[tilespmem:s29], [sflag:$0x1] =	stream.strided.gather [hbm4b:s18+s8], $0x1000, s9, s8, $0x38;
	[tilespmem:$0x12400] =	vst v63  }
0x4a: {  	s18 =	sand.u32 $0x1FFFFF80, s30  }
0x4b: {  	s31 =	rddreg [dreg:$0x8];
	s18 =	sadd.s32 s2, s18  }
0x4c: {  	v39 =	vsel vm14, $0x0, v33;
	[tilespmem:s31], [sflag:$0x1] =	stream.strided.gather [hbm4b:s18+s8], $0x1000, s9, s8, $0x38;
	[tilespmem:$0x12400] =	vst v63  }
0x4d: {  	v40 =	vxor.u32 $0x80000000, v39;
	v38, _, _ =	vpop (xrf0);
	s18 =	sand.u32 $0x1FFFFF80, s19  }
0x4e: {  	v42 =	vsel vm15, $0x0, v33;
	s20 =	rddreg [dreg:$0x9];
	(xrf0) =	vmax.scan.msk.u32 $0xffff, v40;
	s18 =	sadd.s32 s2, s18;
	s21 =	spop (v2sf);
	(v2sf) =	vpush v38, $0xF  }
0x4f: {  	v43 =	vxor.u32 $0x80000000, v42;
	v41, _, _ =	vpop (xrf0);
	[tilespmem:s20], [sflag:$0x1] =	stream.strided.gather [hbm4b:s18+s8], $0x1000, s9, s8, $0x38;
	[tilespmem:$0x12400] =	vst v63  }
0x50: {  	(xrf0) =	vmax.scan.msk.u32 $0xffff, v43;
	s23 =	spop (v2sf);
	(v2sf) =	vpush v41, $0xF  }
0x51: {  	s18 =	sand.u32 $0x1FFFFF80, s21  }
0x52: {  	s22 =	rddreg [dreg:$0xa];
	s18 =	sadd.s32 s2, s18  }
0x53: {  	[tilespmem:s22], [sflag:$0x1] =	stream.strided.gather [hbm4b:s18+s8], $0x1000, s9, s8, $0x38;
	[tilespmem:$0x12400] =	vst v63  }
0x54: {  	v44, _, _ =	vpop (xrf0);
	s18 =	sand.u32 $0x1FFFFF80, s23  }
0x55: {  	s24 =	rddreg [dreg:$0xb];
	s18 =	sadd.s32 s2, s18;
	s25 =	spop (v2sf);
	(v2sf) =	vpush v44, $0xF  }
0x56: {  	v45, _, _ =	vpop (xrf0);
	[tilespmem:s24], [sflag:$0x1] =	stream.strided.gather [hbm4b:s18+s8], $0x1000, s9, s8, $0x38;
	[tilespmem:$0x12400] =	vst v63  }
0x57: {  	s18 =	sand.u32 $0x1FFFFF80, s25;
	s28 =	spop (v2sf);
	(v2sf) =	vpush v45, $0xF  }
0x58: {  	s26 =	rddreg [dreg:$0xc];
	s18 =	sadd.s32 s2, s18  }
0x59: {  	[tilespmem:s26], [sflag:$0x1] =	stream.strided.gather [hbm4b:s18+s8], $0x1000, s9, s8, $0x38;
	[tilespmem:$0x12400] =	vst v63  }
0x5a: {  	s18 =	sand.u32 $0x1FFFFF80, s28  }
0x5b: {  	s29 =	rddreg [dreg:$0xd];
	s18 =	sadd.s32 s2, s18  }
0x5c: {  	[tilespmem:s29], [sflag:$0x1] =	stream.strided.gather [hbm4b:s18+s8], $0x1000, s9, s8, $0x38;
	[tilespmem:$0x12400] =	vst v63  }
0x5d: {  	s30 =	spop (v2sf)  }
0x5e: {  	s18 =	sand.u32 $0x1FFFFF80, s30  }
0x5f: {  	s31 =	rddreg [dreg:$0xe];
	s19 =	spop (v2sf);
	s18 =	sadd.s32 s2, s18  }
0x60: {  	[tilespmem:s31], [sflag:$0x1] =	stream.strided.gather [hbm4b:s18+s8], $0x1000, s9, s8, $0x38;
	[tilespmem:$0x12400] =	vst v63  }
0x61: {  	s18 =	sand.u32 $0x1FFFFF80, s19  }
0x62: {  	s20 =	rddreg [dreg:$0xf];
	s18 =	sadd.s32 s2, s18  }
0x63: {  	[tilespmem:s20], [sflag:$0x1] =	stream.strided.gather [hbm4b:s18+s8], $0x1000, s9, s8, $0x38;
	[tilespmem:$0x12400] =	vst v63  }
0x64: {  	s21 =	spop (v2sf)  }
0x65: {  	s18 =	sand.u32 $0x1FFFFF80, s21  }
0x66: {  	s22 =	rddreg [dreg:$0x10];
	s23 =	spop (v2sf);
	s18 =	sadd.s32 s2, s18  }
0x67: {  	[tilespmem:s22], [sflag:$0x1] =	stream.strided.gather [hbm4b:s18+s8], $0x1000, s9, s8, $0x38;
	[tilespmem:$0x12400] =	vst v63  }
0x68: {  	s18 =	sand.u32 $0x1FFFFF80, s23  }
0x69: {  	s24 =	rddreg [dreg:$0x11];
	s18 =	sadd.s32 s2, s18  }
0x6a: {  	[tilespmem:s24], [sflag:$0x1] =	stream.strided.gather [hbm4b:s18+s8], $0x1000, s9, s8, $0x38;
	[tilespmem:$0x12400] =	vst v63  }
0x6b: {  	_ =	swait.ge [sflag:s11], $0x1000  }
0x6c: {  	[sflag:s11] =	ssyncset.done $0x0  }
0x6d: {  	[sflag:s11] =	ssyncadd.s32 $0xFFFFF000  }
0x6e: {  	_ =	swait.ge [sflag:s11], $0x1000  }
0x6f: {  	[sflag:s11] =	ssyncset.done $0x0  }
0x70: {  	[sflag:s11] =	ssyncadd.s32 $0xFFFFF000  }
0x71: {  	_ =	swait.ge [sflag:s11], $0x1000  }
0x72: {  	[sflag:s11] =	ssyncset.done $0x0  }
0x73: {  	[sflag:s11] =	ssyncadd.s32 $0xFFFFF000  }
0x74: {  	_ =	swait.ge [sflag:s11], $0x1000  }
0x75: {  	[sflag:s11] =	ssyncset.done $0x0  }
0x76: {  	[sflag:s11] =	ssyncadd.s32 $0xFFFFF000  }
0x77: {  	_ =	swait.ge [sflag:s11], $0x1000  }
0x78: {  	[sflag:s11] =	ssyncset.done $0x0  }
0x79: {  	[sflag:s11] =	ssyncadd.s32 $0xFFFFF000  }
0x7a: {  	_ =	swait.ge [sflag:s11], $0x1000  }
0x7b: {  	[sflag:s11] =	ssyncset.done $0x0  }
0x7c: {  	[sflag:s11] =	ssyncadd.s32 $0xFFFFF000  }
0x7d: {  	_ =	swait.ge [sflag:s11], $0x1000  }
0x7e: {  	[sflag:s11] =	ssyncset.done $0x0  }
0x7f: {  	[sflag:s11] =	ssyncadd.s32 $0xFFFFF000  }
0x80: {  	_ =	swait.ge [sflag:s11], $0x1000  }
0x81: {  	[sflag:s11] =	ssyncset.done $0x0  }
0x82: {  	[sflag:s11] =	ssyncadd.s32 $0xFFFFF000  }
0x83: {  	_ =	swait.ge [sflag:s11], $0x1000  }
0x84: {  	[sflag:s11] =	ssyncset.done $0x0  }
0x85: {  	[sflag:s11] =	ssyncadd.s32 $0xFFFFF000  }
0x86: {  	_ =	swait.ge [sflag:s11], $0x1000  }
0x87: {  	[sflag:s11] =	ssyncset.done $0x0  }
0x88: {  	[sflag:s11] =	ssyncadd.s32 $0xFFFFF000  }
0x89: {  	_ =	swait.ge [sflag:s11], $0x1000  }
0x8a: {  	[sflag:s11] =	ssyncset.done $0x0  }
0x8b: {  	[sflag:s11] =	ssyncadd.s32 $0xFFFFF000  }
0x8c: {  	_ =	swait.ge [sflag:s11], $0x1000  }
0x8d: {  	[sflag:s11] =	ssyncset.done $0x0  }
0x8e: {  	[sflag:s11] =	ssyncadd.s32 $0xFFFFF000  }
0x8f: {  	_ =	swait.ge [sflag:s11], $0x1000  }
0x90: {  	[sflag:s11] =	ssyncset.done $0x0  }
0x91: {  	[sflag:s11] =	ssyncadd.s32 $0xFFFFF000  }
0x92: {  	_ =	swait.ge [sflag:s11], $0x1000  }
0x93: {  	[sflag:s11] =	ssyncset.done $0x0  }
0x94: {  	[sflag:s11] =	ssyncadd.s32 $0xFFFFF000  }
0x95: {  	_ =	swait.ge [sflag:s11], $0x1000  }
0x96: {  	[sflag:s11] =	ssyncset.done $0x0  }
0x97: {  	[sflag:s11] =	ssyncadd.s32 $0xFFFFF000  }
0x98: {  	_ =	swait.ge [sflag:s11], $0x1000  }
0x99: {  	p0 =	slt.u32 s17, $0x2;
	v32 =	vsub.s32 v32, v33;
	[sflag:s11] =	ssyncset.done $0x0  }
0x9a: {  	v33 =	vnsel vm0, $0x0, v32;
	s18 =	simm.s32 @!p0 $0x2;
	[sflag:s11] =	ssyncadd.s32 $0xFFFFF000  }
0x9b: {  	v33 =	vxor.u32 $0x80000000, v33;
	_ =	swait.ge @!p0 [sflag:s18], $0x800  }
0x9c: {  	(xrf0) =	vmax.scan.msk.u32 $0xffff, v33;
	_ =	sdelay $0x5  }
0x9d: {  	v33, _, _ =	vpop (xrf0)  }
0x9e: {  	(v2sf) =	vpush v33, $0xF;
	_ =	sdelay $0x2  }
0x9f: {  	v46 =	vsel vm1, $0x0, v32  }
0xa0: {  	v33 =	vxor.u32 $0x80000000, v46  }
0xa1: {  	(xrf0) =	vmax.scan.msk.u32 $0xffff, v33;
	_ =	sdelay $0x5  }
0xa2: {  	v33, _, _ =	vpop (xrf0)  }
0xa3: {  	(v2sf) =	vpush v33, $0xF;
	_ =	sdelay $0x2  }
0xa4: {  	v47 =	vsel vm2, $0x0, v32;
	s25 =	spop (v2sf)  }
0xa5: {  	v33 =	vxor.u32 $0x80000000, v47;
	s19 =	sxor.u32 $0x80000000, s25  }
0xa6: {  	(xrf0) =	vmax.scan.msk.u32 $0xffff, v33;
	v48 =	vadd.s32 s19, v0;
	_ =	sdelay $0x2  }
0xa7: {  	[sflag:s18] =	ssyncset.done @!p0 $0x0  }
0xa8: {  	[sflag:s18] =	ssyncadd.s32 @!p0 $0xFFFFF800  }
0xa9: {  	v49 =	vld.idx.msk [tilespmem:v48+s10+$0x0], $0xffff  }
0xaa: {  	v51, _, _ =	vpop (xrf0);
	v50 =	vadd.s32 s19, v1  }
0xab: {  	(v2sf) =	vpush v51, $0xF;
	_ =	sdelay $0x1  }
0xac: {  	s18 =	sand.u32 $0x800, s14  }
0xad: {  	v52 =	vsel vm3, $0x0, v32;
	s26 =	spop (v2sf);
	[tilespmem:s18+$0x11400] =	vst v49  }
0xae: {  	v33 =	vxor.u32 $0x80000000, v52;
	s19 =	sxor.u32 $0x80000000, s26;
	v34 =	vld.idx.msk [tilespmem:v50+s10+$0x0], $0xffff  }
0xaf: {  	(xrf0) =	vmax.scan.msk.u32 $0xffff, v33;
	v53 =	vadd.s32 s19, v2;
	_ =	sdelay $0x3  }
0xb0: {  	[tilespmem:s18+$0x11410] =	vst v34  }
0xb1: {  	v54 =	vld.idx.msk [tilespmem:v53+s10+$0x0], $0xffff  }
0xb2: {  	v56, _, _ =	vpop (xrf0);
	v55 =	vadd.s32 s19, v3  }
0xb3: {  	(v2sf) =	vpush v56, $0xF;
	_ =	sdelay $0x2  }
0xb4: {  	v57 =	vsel vm4, $0x0, v32;
	s28 =	spop (v2sf);
	[tilespmem:s18+$0x11480] =	vst v54  }
0xb5: {  	v33 =	vxor.u32 $0x80000000, v57;
	s19 =	sxor.u32 $0x80000000, s28;
	v34 =	vld.idx.msk [tilespmem:v55+s10+$0x0], $0xffff  }
0xb6: {  	(xrf0) =	vmax.scan.msk.u32 $0xffff, v33;
	v58 =	vadd.s32 s19, v4;
	_ =	sdelay $0x3  }
0xb7: {  	[tilespmem:s18+$0x11490] =	vst v34  }
0xb8: {  	v59 =	vld.idx.msk [tilespmem:v58+s10+$0x0], $0xffff  }
0xb9: {  	v61, _, _ =	vpop (xrf0);
	v60 =	vadd.s32 s19, v5  }
0xba: {  	(v2sf) =	vpush v61, $0xF;
	_ =	sdelay $0x2  }
0xbb: {  	v62 =	vsel vm5, $0x0, v32;
	s29 =	spop (v2sf);
	[tilespmem:s18+$0x11500] =	vst v59  }
0xbc: {  	v33 =	vxor.u32 $0x80000000, v62;
	s19 =	sxor.u32 $0x80000000, s29;
	v34 =	vld.idx.msk [tilespmem:v60+s10+$0x0], $0xffff  }
0xbd: {  	(xrf0) =	vmax.scan.msk.u32 $0xffff, v33;
	v63 =	vadd.s32 s19, v6;
	_ =	sdelay $0x3  }
0xbe: {  	[tilespmem:s18+$0x11510] =	vst v34  }
0xbf: {  	v36 =	vld.idx.msk [tilespmem:v63+s10+$0x0], $0xffff  }
0xc0: {  	v38, _, _ =	vpop (xrf0);
	v37 =	vadd.s32 s19, v7  }
0xc1: {  	(v2sf) =	vpush v38, $0xF;
	_ =	sdelay $0x2  }
0xc2: {  	v39 =	vsel vm6, $0x0, v32;
	s30 =	spop (v2sf);
	[tilespmem:s18+$0x11580] =	vst v36  }
0xc3: {  	v33 =	vxor.u32 $0x80000000, v39;
	s19 =	sxor.u32 $0x80000000, s30;
	v34 =	vld.idx.msk [tilespmem:v37+s10+$0x0], $0xffff  }
0xc4: {  	(xrf0) =	vmax.scan.msk.u32 $0xffff, v33;
	v40 =	vadd.s32 s19, v8;
	_ =	sdelay $0x3  }
0xc5: {  	[tilespmem:s18+$0x11590] =	vst v34  }
0xc6: {  	v41 =	vld.idx.msk [tilespmem:v40+s10+$0x0], $0xffff  }
0xc7: {  	v43, _, _ =	vpop (xrf0);
	v42 =	vadd.s32 s19, v9  }
0xc8: {  	(v2sf) =	vpush v43, $0xF;
	_ =	sdelay $0x2  }
0xc9: {  	v44 =	vsel vm7, $0x0, v32;
	s31 =	spop (v2sf);
	[tilespmem:s18+$0x11600] =	vst v41  }
0xca: {  	v33 =	vxor.u32 $0x80000000, v44;
	s19 =	sxor.u32 $0x80000000, s31;
	v34 =	vld.idx.msk [tilespmem:v42+s10+$0x0], $0xffff  }
0xcb: {  	(xrf0) =	vmax.scan.msk.u32 $0xffff, v33;
	v45 =	vadd.s32 s19, v10;
	_ =	sdelay $0x3  }
0xcc: {  	[tilespmem:s18+$0x11610] =	vst v34  }
0xcd: {  	v46 =	vld.idx.msk [tilespmem:v45+s10+$0x0], $0xffff  }
0xce: {  	v48, _, _ =	vpop (xrf0);
	v47 =	vadd.s32 s19, v11  }
0xcf: {  	(v2sf) =	vpush v48, $0xF;
	_ =	sdelay $0x2  }
0xd0: {  	v49 =	vsel vm8, $0x0, v32;
	s20 =	spop (v2sf);
	[tilespmem:s18+$0x11680] =	vst v46  }
0xd1: {  	v33 =	vxor.u32 $0x80000000, v49;
	s19 =	sxor.u32 $0x80000000, s20;
	v34 =	vld.idx.msk [tilespmem:v47+s10+$0x0], $0xffff  }
0xd2: {  	(xrf0) =	vmax.scan.msk.u32 $0xffff, v33;
	v50 =	vadd.s32 s19, v12;
	_ =	sdelay $0x3  }
0xd3: {  	[tilespmem:s18+$0x11690] =	vst v34  }
0xd4: {  	v51 =	vld.idx.msk [tilespmem:v50+s10+$0x0], $0xffff  }
0xd5: {  	v53, _, _ =	vpop (xrf0);
	v52 =	vadd.s32 s19, v13  }
0xd6: {  	(v2sf) =	vpush v53, $0xF;
	_ =	sdelay $0x2  }
0xd7: {  	v54 =	vsel vm9, $0x0, v32;
	s21 =	spop (v2sf);
	[tilespmem:s18+$0x11700] =	vst v51  }
0xd8: {  	v33 =	vxor.u32 $0x80000000, v54;
	s19 =	sxor.u32 $0x80000000, s21;
	v34 =	vld.idx.msk [tilespmem:v52+s10+$0x0], $0xffff  }
0xd9: {  	(xrf0) =	vmax.scan.msk.u32 $0xffff, v33;
	v55 =	vadd.s32 s19, v14;
	_ =	sdelay $0x3  }
0xda: {  	[tilespmem:s18+$0x11710] =	vst v34  }
0xdb: {  	v56 =	vld.idx.msk [tilespmem:v55+s10+$0x0], $0xffff  }
0xdc: {  	v58, _, _ =	vpop (xrf0);
	v57 =	vadd.s32 s19, v15  }
0xdd: {  	(v2sf) =	vpush v58, $0xF;
	_ =	sdelay $0x2  }
0xde: {  	v59 =	vsel vm10, $0x0, v32;
	s22 =	spop (v2sf);
	[tilespmem:s18+$0x11780] =	vst v56  }
0xdf: {  	v33 =	vxor.u32 $0x80000000, v59;
	s19 =	sxor.u32 $0x80000000, s22;
	v34 =	vld.idx.msk [tilespmem:v57+s10+$0x0], $0xffff  }
0xe0: {  	(xrf0) =	vmax.scan.msk.u32 $0xffff, v33;
	v60 =	vadd.s32 s19, v16;
	_ =	sdelay $0x3  }
0xe1: {  	[tilespmem:s18+$0x11790] =	vst v34  }
0xe2: {  	v61 =	vld.idx.msk [tilespmem:v60+s10+$0x0], $0xffff  }
0xe3: {  	v63, _, _ =	vpop (xrf0);
	v62 =	vadd.s32 s19, v17  }
0xe4: {  	(v2sf) =	vpush v63, $0xF;
	_ =	sdelay $0x2  }
0xe5: {  	v36 =	vsel vm11, $0x0, v32;
	s23 =	spop (v2sf);
	[tilespmem:s18+$0x11800] =	vst v61  }
0xe6: {  	v33 =	vxor.u32 $0x80000000, v36;
	s19 =	sxor.u32 $0x80000000, s23;
	v34 =	vld.idx.msk [tilespmem:v62+s10+$0x0], $0xffff  }
0xe7: {  	(xrf0) =	vmax.scan.msk.u32 $0xffff, v33;
	v37 =	vadd.s32 s19, v18;
	_ =	sdelay $0x3  }
0xe8: {  	[tilespmem:s18+$0x11810] =	vst v34  }
0xe9: {  	v38 =	vld.idx.msk [tilespmem:v37+s10+$0x0], $0xffff  }
0xea: {  	v40, _, _ =	vpop (xrf0);
	v39 =	vadd.s32 s19, v19  }
0xeb: {  	(v2sf) =	vpush v40, $0xF;
	_ =	sdelay $0x2  }
0xec: {  	v41 =	vsel vm12, $0x0, v32;
	s24 =	spop (v2sf);
	[tilespmem:s18+$0x11880] =	vst v38  }
0xed: {  	v33 =	vxor.u32 $0x80000000, v41;
	s19 =	sxor.u32 $0x80000000, s24;
	v34 =	vld.idx.msk [tilespmem:v39+s10+$0x0], $0xffff  }
0xee: {  	(xrf0) =	vmax.scan.msk.u32 $0xffff, v33;
	v42 =	vadd.s32 s19, v20;
	_ =	sdelay $0x3  }
0xef: {  	[tilespmem:s18+$0x11890] =	vst v34  }
0xf0: {  	v43 =	vld.idx.msk [tilespmem:v42+s10+$0x0], $0xffff  }
0xf1: {  	v45, _, _ =	vpop (xrf0);
	v44 =	vadd.s32 s19, v21  }
0xf2: {  	(v2sf) =	vpush v45, $0xF;
	_ =	sdelay $0x2  }
0xf3: {  	v46 =	vsel vm13, $0x0, v32;
	s25 =	spop (v2sf);
	[tilespmem:s18+$0x11900] =	vst v43  }
0xf4: {  	v33 =	vxor.u32 $0x80000000, v46;
	s19 =	sxor.u32 $0x80000000, s25;
	v34 =	vld.idx.msk [tilespmem:v44+s10+$0x0], $0xffff  }
0xf5: {  	(xrf0) =	vmax.scan.msk.u32 $0xffff, v33;
	v47 =	vadd.s32 s19, v22;
	_ =	sdelay $0x3  }
0xf6: {  	[tilespmem:s18+$0x11910] =	vst v34  }
0xf7: {  	v48 =	vld.idx.msk [tilespmem:v47+s10+$0x0], $0xffff  }
0xf8: {  	v50, _, _ =	vpop (xrf0);
	v49 =	vadd.s32 s19, v23  }
0xf9: {  	(v2sf) =	vpush v50, $0xF;
	_ =	sdelay $0x2  }
0xfa: {  	v51 =	vsel vm14, $0x0, v32;
	s26 =	spop (v2sf);
	[tilespmem:s18+$0x11980] =	vst v48  }
0xfb: {  	v33 =	vxor.u32 $0x80000000, v51;
	s19 =	sxor.u32 $0x80000000, s26;
	v34 =	vld.idx.msk [tilespmem:v49+s10+$0x0], $0xffff  }
0xfc: {  	(xrf0) =	vmax.scan.msk.u32 $0xffff, v33;
	v52 =	vadd.s32 s19, v24;
	_ =	sdelay $0x3  }
0xfd: {  	[tilespmem:s18+$0x11990] =	vst v34  }
0xfe: {  	v53 =	vld.idx.msk [tilespmem:v52+s10+$0x0], $0xffff  }
0xff: {  	v55, _, _ =	vpop (xrf0);
	v54 =	vadd.s32 s19, v25  }
0x100: {  	(v2sf) =	vpush v55, $0xF;
	_ =	sdelay $0x2  }
0x101: {  	v32 =	vsel vm15, $0x0, v32;
	s28 =	spop (v2sf);
	[tilespmem:s18+$0x11A00] =	vst v53  }
0x102: {  	v32 =	vxor.u32 $0x80000000, v32;
	s19 =	sxor.u32 $0x80000000, s28;
	v33 =	vld.idx.msk [tilespmem:v54+s10+$0x0], $0xffff  }
0x103: {  	(xrf0) =	vmax.scan.msk.u32 $0xffff, v32;
	v56 =	vadd.s32 s19, v26;
	_ =	sdelay $0x3  }
0x104: {  	[tilespmem:s18+$0x11A10] =	vst v33  }
0x105: {  	v57 =	vld.idx.msk [tilespmem:v56+s10+$0x0], $0xffff  }
0x106: {  	v59, _, _ =	vpop (xrf0);
	v58 =	vadd.s32 s19, v27  }
0x107: {  	(v2sf) =	vpush v59, $0xF;
	_ =	sdelay $0x2  }
0x108: {  	s29 =	spop (v2sf);
	[tilespmem:s18+$0x11A80] =	vst v57  }
0x109: {  	s19 =	sxor.u32 $0x80000000, s29;
	v32 =	vld.idx.msk [tilespmem:v58+s10+$0x0], $0xffff  }
0x10a: {  	v60 =	vadd.s32 s19, v28;
	_ =	sdelay $0x3  }
0x10b: {  	[tilespmem:s18+$0x11A90] =	vst v32  }
0x10c: {  	v32 =	vld.idx.msk [tilespmem:v60+s10+$0x0], $0xffff  }
0x10d: {  	v61 =	vadd.s32 s19, v29;
	_ =	sdelay $0x3  }
0x10e: {  	s30 =	spop (v2sf);
	[tilespmem:s18+$0x11B00] =	vst v32  }
0x10f: {  	s19 =	sxor.u32 $0x80000000, s30;
	v32 =	vld.idx.msk [tilespmem:v61+s10+$0x0], $0xffff  }
0x110: {  	v62 =	vadd.s32 s19, v30;
	_ =	sdelay $0x3  }
0x111: {  	[tilespmem:s18+$0x11B10] =	vst v32  }
0x112: {  	v32 =	vld.idx.msk [tilespmem:v62+s10+$0x0], $0xffff  }
0x113: {  	v63 =	vadd.s32 s19, v31;
	_ =	sdelay $0x3  }
0x114: {  	[tilespmem:s18+$0x11B80] =	vst v32  }
0x115: {  	v32 =	vld.idx.msk [tilespmem:v63+s10+$0x0], $0xffff  }
0x116: {  	s17 =	sadd.s32 $0x1, s17  }
0x117: {  	p0 =	sne.s32 s17, $0x28  }
.Ltmp0:
0x118: {  	_ = 	snop;
	(pc) =	sbr.rel @p0 .LBB2_2-.Ltmp0, $4  }
0x119: {  	_ = 	snop  }
0x11a: {  	s31 =	sor.u32 $0x11400, s18;
	[tilespmem:s18+$0x11B90] =	vst v32  }
0x11b: {  	[hbm4b:s15+s3] =	stream.linear.scatter [tilespmem:s31], [sflag:$0x2], $0x800, $0x38;
	[tilespmem:$0x12400] =	vst v63  }
0x11c: {  	s16 =	sadd.s32 $0x80, s16;
	s14 =	sadd.s32 $0x800, s14;
	s15 =	sadd.s32 $0x100, s15  }
0x11d: {  	s13 =	sadd.s32 $0x1, s13  }
0x11e: {  	_ =	swait.ge [sflag:s12], $0x800;
	p0 =	sne.s32 s13, s5  }
.Ltmp1:
0x11f: {  	[sflag:s12] =	ssyncset.done $0x0;
	(pc) =	sbr.rel @p0 .LBB2_1-.Ltmp1, $4  }
0x120: {  	[sflag:s12] =	ssyncadd.s32 $0xFFFFF800  }
0x121: {  	_ =	swait.ge [sflag:s12], $0x800  }
0x122: {  	[sflag:s12] =	ssyncset.done $0x0  }
0x123: {  	[sflag:s12] =	ssyncadd.s32 $0xFFFFF800  }
0x124: {  	_ =	sfence.sel $0x180000  }
0x125: {  	[bflag:$0x0] =	sbarrier.arrive $0xFFFF  }
0x126: {  	p0 =	sne.s32 s1, $0x0;
	_ =	strace $0x90000047  }
0x127: {  	s0 =	sadd.s32 @!p0 $0x100000, s0;
	[bflag:$0x2] =	sbarrier.arrive $0xFFFF  }
0x128: {  	[sflag:s0] =	ssyncadd.tile.s32 @!p0 $0x1;
	_ =	shalt  }
.Lfunc_end2:
_tile_overlayer_lowered:
.L_overlay_start_2:
0x129: {  	(tag) =	ssettag $0x2  }
0x12a: {  	s0 =	rddreg [dreg:$0x0];
	s2 =	stileid.u32  }
0x12b: {  	s1 =	rddreg [dreg:$0x1];
	p0 =	sne.s32 s2, $0x0  }
0x12c: {  	s3 =	rddreg [dreg:$0x2];
	[bflag:$0x3] =	sbarrier.arrive $0xFFFF;
	s2 =	simm.s32 @!p0 $0x1C03  }
0x12d: {  	[timem:s3], [sflag:s2] =	dma.local @!p0 [hbm:s0], s1  }
0x12e: {  	s0 =	simm.s32 @!p0 $0x3  }
0x12f: {  	_ =	swait.ge @!p0 [sflag:s0], s1  }
0x130: {  	s1 =	ssub.s32 @!p0 $0x0, s1;
	[sflag:s0] =	ssyncset.done @!p0 $0x0  }
0x131: {  	[sflag:s0] =	ssyncadd.s32 @!p0 s1  }
0x132: {  	[bflag:$0x3] =	sbarrier.arrive $0xFFFF  }
0x133: {  	_ =	shalt  }

</sc_bundles>
